<compile_context>
chip_gen: v7x
topology: tpu7x:2x2x1
jax: 0.10.2.dev20260603
libtpu: 0.0.44.dev20260713+nightly
codegen_flags: <defaults>
</compile_context>

<pallas_src>
import functools

import jax
import jax.numpy as jnp
from jax.experimental import pallas as pl
from jax.experimental.pallas import tpu as pltpu
from jax.experimental.pallas import tpu_sc as plsc

_VOCAB = 256
_EMB = 128
_C = 256
_HID = 256
_NCLS = 20
_B = 16
_T = 1024
_BH0 = 12
_BH1 = _B - _BH0


def _sc_embed_gather(table, idx_flat):
    n = idx_flat.shape[0]
    nw = 32
    b_per_w = n // nw
    mesh = plsc.VectorSubcoreMesh(core_axis_name="c", subcore_axis_name="s")

    @functools.partial(
        pl.kernel,
        mesh=mesh,
        out_type=jax.ShapeDtypeStruct((n, table.shape[1]), table.dtype),
        scratch_types=[
            pltpu.VMEM((b_per_w,), jnp.int32),
            pltpu.VMEM((b_per_w, table.shape[1]), table.dtype),
            pltpu.SemaphoreType.DMA,
        ],
    )
    def gather_kernel(table_hbm, idx_hbm, out_hbm, idx_v, rows_v, sem):
        wid = jax.lax.axis_index("s") * 2 + jax.lax.axis_index("c")
        base = wid * b_per_w
        pltpu.sync_copy(idx_hbm.at[pl.ds(base, b_per_w)], idx_v)
        pltpu.async_copy(table_hbm.at[idx_v], rows_v, sem).wait()
        pltpu.sync_copy(rows_v, out_hbm.at[pl.ds(base, b_per_w)])

    return gather_kernel(table, idx_flat)


_RPS = 4


def _conv_step(emb_ref, w5_ref, w4_ref, w3_ref, b_ref, x_ref, write):
    n = _RPS * _T
    e = (emb_ref[...].reshape(n, _EMB) * 8.0).astype(jnp.float8_e4m3fn)
    x_ref[:, 0:_EMB] = e
    for dt in range(1, 5):
        x_ref[0 : n - dt, dt * _EMB : (dt + 1) * _EMB] = e[dt:n]
        x_ref[n - dt : n, dt * _EMB : (dt + 1) * _EMB] = jnp.zeros(
            (dt, _EMB), jnp.float8_e4m3fn
        )
    x = x_ref[...]

    for w_ref, width, slot in ((w5_ref, 5, 0), (w4_ref, 4, 1), (w3_ref, 3, 2)):
        length = _T - width + 1
        acc = jnp.dot(
            x[:, 0 : width * _EMB],
            w_ref[...],
            preferred_element_type=jnp.float32,
        )
        bias = b_ref[0, slot * _C : (slot + 1) * _C]
        for r in range(_RPS):
            m = jnp.max(acc[r * _T : r * _T + length], axis=0)
            write(r, slot, jax.nn.relu(m * (1.0 / 64.0) + bias))


def _conv_body(emb_ref, w5_ref, w4_ref, w3_ref, b_ref, out_ref, x_ref):
    def write(r, slot, f):
        out_ref[r, slot, :] = f

    _conv_step(emb_ref, w5_ref, w4_ref, w3_ref, b_ref, x_ref, write)


def _conv_feats(emb_bt, w5f, w4f, w3f, biases):
    return pl.pallas_call(
        _conv_body,
        grid=(_BH0 // _RPS,),
        in_specs=[
            pl.BlockSpec((_RPS, _T, _EMB), lambda b: (b, 0, 0)),
            pl.BlockSpec((5 * _EMB, _C), lambda b: (0, 0)),
            pl.BlockSpec((4 * _EMB, _C), lambda b: (0, 0)),
            pl.BlockSpec((3 * _EMB, _C), lambda b: (0, 0)),
            pl.BlockSpec((1, 3 * _C), lambda b: (0, 0)),
        ],
        out_specs=pl.BlockSpec((_RPS, 3, _C), lambda b: (b, 0, 0)),
        out_shape=jax.ShapeDtypeStruct((_BH0, 3, _C), jnp.float32),
        scratch_shapes=[pltpu.VMEM((_RPS * _T, 5 * _EMB), jnp.float8_e4m3fn)],
    )(emb_bt, w5f, w4f, w3f, biases)


def _gates_split(g):
    return (
        g[:, 0 * _HID : 1 * _HID],
        g[:, 1 * _HID : 2 * _HID],
        g[:, 2 * _HID : 3 * _HID],
        g[:, 3 * _HID : 4 * _HID],
    )


def _conv_rec_body(emb_ref, w5_ref, w4_ref, w3_ref, b_ref, feats0_ref,
                   wif_ref, whf_ref, bf_ref, wib_ref, bb_ref, pw_ref, pb_ref,
                   out_ref, x_ref, feats_ref):
    b = pl.program_id(0)

    def write(r, slot, f):
        feats_ref[b * _RPS + r, slot, :] = f

    _conv_step(emb_ref, w5_ref, w4_ref, w3_ref, b_ref, x_ref, write)

    @pl.when(b == _BH1 // _RPS - 1)
    def _recurrent():
        def seq(t):
            return jnp.concatenate(
                [feats0_ref[:, t, :], feats_ref[:, t, :]], axis=0
            )

        h = jnp.zeros((_B, _HID), jnp.float32)
        c = jnp.zeros((_B, _HID), jnp.float32)
        for t in range(3):
            x = seq(t).astype(jnp.bfloat16)
            g = (
                jnp.dot(x, wif_ref[...], preferred_element_type=jnp.float32)
                + jnp.dot(
                    h.astype(jnp.bfloat16),
                    whf_ref[...],
                    preferred_element_type=jnp.float32,
                )
                + bf_ref[0][None, :]
            )
            i, f, gg, o = _gates_split(g)
            c = jax.nn.sigmoid(f) * c + jax.nn.sigmoid(i) * jnp.tanh(gg)
            h = jax.nn.sigmoid(o) * jnp.tanh(c)

        xb = seq(2).astype(jnp.bfloat16)
        gb = jnp.dot(xb, wib_ref[...], preferred_element_type=jnp.float32)
        gb = gb + bb_ref[0][None, :]
        ib, fb, ggb, ob = _gates_split(gb)
        cb = jax.nn.sigmoid(ib) * jnp.tanh(ggb)
        hb = jax.nn.sigmoid(ob) * jnp.tanh(cb)

        last = jnp.concatenate([h, hb], axis=1).astype(jnp.bfloat16)
        logits = jnp.dot(last, pw_ref[...], preferred_element_type=jnp.float32)
        logits = logits + pb_ref[0][None, :]
        m = jnp.max(logits, axis=1, keepdims=True)
        s = logits - m
        out_ref[...] = s - jnp.log(jnp.sum(jnp.exp(s), axis=1, keepdims=True))


def _conv_rec(emb_bt, w5f, w4f, w3f, biases, feats0,
              wif_t, whf_t, bf, wib_t, bb, pw_t, pb):
    const = lambda b: (0, 0)
    return pl.pallas_call(
        _conv_rec_body,
        grid=(_BH1 // _RPS,),
        in_specs=[
            pl.BlockSpec((_RPS, _T, _EMB), lambda b: (b, 0, 0)),
            pl.BlockSpec((5 * _EMB, _C), const),
            pl.BlockSpec((4 * _EMB, _C), const),
            pl.BlockSpec((3 * _EMB, _C), const),
            pl.BlockSpec((1, 3 * _C), const),
            pl.BlockSpec((_BH0, 3, _C), lambda b: (0, 0, 0)),
            pl.BlockSpec((_C, 4 * _HID), const),
            pl.BlockSpec((_HID, 4 * _HID), const),
            pl.BlockSpec((1, 4 * _HID), const),
            pl.BlockSpec((_C, 4 * _HID), const),
            pl.BlockSpec((1, 4 * _HID), const),
            pl.BlockSpec((2 * _HID, _NCLS), const),
            pl.BlockSpec((1, _NCLS), const),
        ],
        out_specs=pl.BlockSpec((_B, _NCLS), const),
        out_shape=jax.ShapeDtypeStruct((_B, _NCLS), jnp.float32),
        scratch_shapes=[
            pltpu.VMEM((_RPS * _T, 5 * _EMB), jnp.float8_e4m3fn),
            pltpu.VMEM((_BH1, 3, _C), jnp.float32),
        ],
    )(emb_bt, w5f, w4f, w3f, biases, feats0,
      wif_t, whf_t, bf, wib_t, bb, pw_t, pb)


def kernel(inp, emb_table, conv_w5, conv_b5, conv_w4, conv_b4, conv_w3, conv_b3,
           W_ih_f, W_hh_f, b_ih_f, b_hh_f, W_ih_b, W_hh_b, b_ih_b, b_hh_b,
           proj_W, proj_b):
    idx = inp.T.reshape(-1)
    emb0 = _sc_embed_gather(emb_table, idx[: _BH0 * _T]).reshape(_BH0, _T, _EMB)
    emb1 = _sc_embed_gather(emb_table, idx[_BH0 * _T :]).reshape(_BH1, _T, _EMB)

    def flat_w(w, width):
        f = w[:, 0].transpose(2, 1, 0).reshape(width * _EMB, _C)
        return (f * 8.0).astype(jnp.float8_e4m3fn)

    w5f, w4f, w3f = flat_w(conv_w5, 5), flat_w(conv_w4, 4), flat_w(conv_w3, 3)
    biases = jnp.concatenate([conv_b5, conv_b4, conv_b3]).reshape(1, 3 * _C)

    feats0 = _conv_feats(emb0, w5f, w4f, w3f, biases)

    bf16 = jnp.bfloat16
    return _conv_rec(
        emb1, w5f, w4f, w3f, biases, feats0,
        W_ih_f.T.astype(bf16), W_hh_f.T.astype(bf16),
        (b_ih_f + b_hh_f).reshape(1, -1),
        W_ih_b.T.astype(bf16), (b_ih_b + b_hh_b).reshape(1, -1),
        proj_W.T.astype(bf16), proj_b.reshape(1, -1),
    )

# --- scband reference (transcript-rebuilt; emitter-appended) ---
"""Pipeline reference for scband-conv-rec-16767552323965 (READ-ONLY COPY).

The authoritative reference and input builder live on the scoring server;
editing this copy changes nothing except your own understanding.
"""

import jax, jax.numpy as jnp
import numpy as np

VOCAB = 256
EMB = 128
C_OUT = 256
HID = 256
NCLS = 20
B = 16
T = 1024

def setup_inputs(seed: int = 0):
    key = jax.random.key(seed)
    ks = jax.random.split(key, 20)
    s = 0.05
    return {
        "inp": jax.random.randint(ks[0], (T, B), 0, VOCAB, dtype=jnp.int32),
        "emb_table": jax.random.normal(ks[1], (VOCAB, EMB), jnp.float32) * s,
        "conv_w5": jax.random.normal(ks[2], (C_OUT, 1, EMB, 5), jnp.float32) * s,
        "conv_b5": jax.random.normal(ks[3], (C_OUT,), jnp.float32) * s,
        "conv_w4": jax.random.normal(ks[4], (C_OUT, 1, EMB, 4), jnp.float32) * s,
        "conv_b4": jax.random.normal(ks[5], (C_OUT,), jnp.float32) * s,
        "conv_w3": jax.random.normal(ks[6], (C_OUT, 1, EMB, 3), jnp.float32) * s,
        "conv_b3": jax.random.normal(ks[7], (C_OUT,), jnp.float32) * s,
        "W_ih_f": jax.random.normal(ks[8], (4 * HID, C_OUT), jnp.float32) * s,
        "W_hh_f": jax.random.normal(ks[9], (4 * HID, HID), jnp.float32) * s,
        "b_ih_f": jax.random.normal(ks[10], (4 * HID,), jnp.float32) * s,
        "b_hh_f": jax.random.normal(ks[11], (4 * HID,), jnp.float32) * s,
        "W_ih_b": jax.random.normal(ks[12], (4 * HID, C_OUT), jnp.float32) * s,
        "W_hh_b": jax.random.normal(ks[13], (4 * HID, HID), jnp.float32) * s,
        "b_ih_b": jax.random.normal(ks[14], (4 * HID,), jnp.float32) * s,
        "b_hh_b": jax.random.normal(ks[15], (4 * HID,), jnp.float32) * s,
        "proj_W": jax.random.normal(ks[16], (NCLS, 2 * HID), jnp.float32) * s,
        "proj_b": jax.random.normal(ks[17], (NCLS,), jnp.float32) * s,
    }

def _lstm_cell(x, h, c, Wi, Wh, bi, bh):
    g = x @ Wi.T + h @ Wh.T + bi + bh
    i, f, gg, o = jnp.split(g, 4, axis=-1)
    i = jax.nn.sigmoid(i)
    f = jax.nn.sigmoid(f)
    gg = jnp.tanh(gg)
    o = jax.nn.sigmoid(o)
    c = f * c + i * gg
    h = o * jnp.tanh(c)
    return h, c

def _forward(inp, emb_table, conv_w5, conv_b5, conv_w4, conv_b4, conv_w3, conv_b3, W_ih_f, W_hh_f, b_ih_f, b_hh_f, W_ih_b, W_hh_b, b_ih_b, b_hh_b, proj_W, proj_b):
    emb = jnp.take(emb_table, inp, axis=0)            # (T, B, E)
    emb = jnp.swapaxes(emb, 0, 1)                      # .t() -> (B, T, E)
    emb = jnp.swapaxes(emb, 1, 2)[:, None, :, :]       # (B, 1, E, T)
    feats = []
    for w, b in ((conv_w5, conv_b5), (conv_w4, conv_b4), (conv_w3, conv_b3)):
        out = jax.lax.conv_general_dilated(emb, w, (1, 1), "VALID", dimension_numbers=("NCHW", "OIHW", "NCHW"))
        out = jax.nn.relu(out + b[None, :, None, None])
        out = jnp.max(jnp.squeeze(out, 2), axis=2)     # global max pool -> (B, C)
        feats.append(out)
    seq = jnp.stack(feats)                             # (3, B, C)
    Tn, Bn = seq.shape[0], seq.shape[1]
    h = jnp.zeros((Bn, HID), jnp.float32)
    c = jnp.zeros((Bn, HID), jnp.float32)
    for t in range(Tn):
        h, c = _lstm_cell(seq[t], h, c, W_ih_f, W_hh_f, b_ih_f, b_hh_f)
    h_fwd_last = h
    h = jnp.zeros((Bn, HID), jnp.float32)
    c = jnp.zeros((Bn, HID), jnp.float32)
    h, c = _lstm_cell(seq[Tn - 1], h, c, W_ih_b, W_hh_b, b_ih_b, b_hh_b)
    h_bwd_last = h
    last = jnp.concatenate([h_fwd_last, h_bwd_last], axis=-1)
    logits = last @ proj_W.T + proj_b
    return jax.nn.log_softmax(logits, axis=-1)

def reference(inp, emb_table, conv_w5, conv_b5, conv_w4, conv_b4, conv_w3, conv_b3, W_ih_f, W_hh_f, b_ih_f, b_hh_f, W_ih_b, W_hh_b, b_ih_b, b_hh_b, proj_W, proj_b):
    return _forward(inp, emb_table, conv_w5, conv_b5, conv_w4, conv_b4, conv_w3, conv_b3, W_ih_f, W_hh_f, b_ih_f, b_hh_f, W_ih_b, W_hh_b, b_ih_b, b_hh_b, proj_W, proj_b)

if __name__ == "__main__":
    import jax
    _d = setup_inputs()
    print(jax.jit(kernel)(*tuple(_d.values())))

</pallas_src>

<mosaic_0001>
#map = affine_map<(d0, d1) -> (0, 0)>
#map1 = affine_map<(d0, d1) -> (0)>
module attributes {stable_mosaic.version = 14 : i64} {
  func.func @gather_kernel(%arg0: i32, %arg1: i32, %arg2: memref<256x128xf32, #tpu.memory_space<hbm>>, %arg3: memref<12288xi32, #tpu.memory_space<hbm>>, %arg4: memref<12288x128xf32, #tpu.memory_space<hbm>>, %arg5: memref<384xi32, #tpu.memory_space<vmem>>, %arg6: memref<384x128xf32, #tpu.memory_space<vmem>>, %arg7: memref<!tpu.dma_semaphore, #tpu.memory_space<semaphore_mem>>) attributes {dimension_semantics = [#tpu.dimension_semantics<core_parallel>, #tpu.dimension_semantics<subcore_parallel>], iteration_bounds = array<i64: 2, 16>, scalar_prefetch = 0 : i64, scratch_operands = 3 : i64, tpu.core_type = #tpu.core_type<sc_vector_subcore>, window_params = [{transform_indices = #map}, {transform_indices = #map1}, {transform_indices = #map}]} {
    %mul3A = arith.constant 2 : i32
    %mul3A_0 = arith.muli %arg1, %mul3A : i32
    %add3A = arith.addi %mul3A_0, %arg0 : i32
    %mul3A_1 = arith.constant 384 : i32
    %mul3A_2 = arith.muli %add3A, %mul3A_1 : i32
    "tpu.region"() ({
      %run_scoped3A = tpu.sem_alloc : memref<!tpu.dma_semaphore, #tpu.memory_space<semaphore_mem>>
      %dma_start3A_7 = tpu.memref_slice %arg3[%mul3A_2] : memref<12288xi32, #tpu.memory_space<hbm>> -> memref<384xi32, #tpu.memory_space<hbm>>
      %dma_start3A_8 = tpu.memref_slice %arg3[%mul3A_2] : memref<12288xi32, #tpu.memory_space<hbm>> -> memref<384xi32, #tpu.memory_space<hbm>>
      tpu.enqueue_dma source(%dma_start3A_8 : memref<384xi32, #tpu.memory_space<hbm>>) target(%arg5 : memref<384xi32, #tpu.memory_space<vmem>>) target_semaphore(%run_scoped3A : memref<!tpu.dma_semaphore, #tpu.memory_space<semaphore_mem>>)
      %dma_wait3A_9 = tpu.memref_slice %arg3[%mul3A_2] : memref<12288xi32, #tpu.memory_space<hbm>> -> memref<384xi32, #tpu.memory_space<hbm>>
      %dma_wait3A_10 = tpu.memref_slice %arg3[%mul3A_2] : memref<12288xi32, #tpu.memory_space<hbm>> -> memref<384xi32, #tpu.memory_space<hbm>>
      tpu.wait_dma2 semaphore(%run_scoped3A : memref<!tpu.dma_semaphore, #tpu.memory_space<semaphore_mem>>) src(%dma_wait3A_10 : memref<384xi32, #tpu.memory_space<hbm>>) dst(%arg5 : memref<384xi32, #tpu.memory_space<vmem>>)
      tpu.yield
    }) : () -> ()
    %dma_start3A = arith.constant 0 : i32
    %dma_start3A_3 = arith.constant 0 : i32
    %dma_start3A_4 = tpu.memref_slice %arg2[%dma_start3A, %dma_start3A_3] : memref<256x128xf32, #tpu.memory_space<hbm>> -> memref<256x128xf32, #tpu.memory_space<hbm>>
    tpu.enqueue_indirect_dma source(%dma_start3A_4 : memref<256x128xf32, #tpu.memory_space<hbm>>) target(%arg6 : memref<384x128xf32, #tpu.memory_space<vmem>>) offsets(%arg5 : memref<384xi32, #tpu.memory_space<vmem>>) semaphore(%arg7 : memref<!tpu.dma_semaphore, #tpu.memory_space<semaphore_mem>>)
    %dma_wait3A = arith.constant 0 : i32
    %dma_wait3A_5 = arith.constant 0 : i32
    %dma_wait3A_6 = tpu.memref_slice %arg2[%dma_wait3A, %dma_wait3A_5] : memref<256x128xf32, #tpu.memory_space<hbm>> -> memref<256x128xf32, #tpu.memory_space<hbm>>
    tpu.wait_indirect_dma semaphore(%arg7 : memref<!tpu.dma_semaphore, #tpu.memory_space<semaphore_mem>>) src(%dma_wait3A_6 : memref<256x128xf32, #tpu.memory_space<hbm>>) dst(%arg6 : memref<384x128xf32, #tpu.memory_space<vmem>>)
    "tpu.region"() ({
      %run_scoped3A = tpu.sem_alloc : memref<!tpu.dma_semaphore, #tpu.memory_space<semaphore_mem>>
      %dma_start3A_7 = arith.constant 0 : i32
      %dma_start3A_8 = tpu.memref_slice %arg4[%mul3A_2, %dma_start3A_7] : memref<12288x128xf32, #tpu.memory_space<hbm>> -> memref<384x128xf32, #tpu.memory_space<hbm>>
      %dma_start3A_9 = arith.constant 0 : i32
      %dma_start3A_10 = tpu.memref_slice %arg4[%mul3A_2, %dma_start3A_9] : memref<12288x128xf32, #tpu.memory_space<hbm>> -> memref<384x128xf32, #tpu.memory_space<hbm>>
      tpu.enqueue_dma source(%arg6 : memref<384x128xf32, #tpu.memory_space<vmem>>) target(%dma_start3A_10 : memref<384x128xf32, #tpu.memory_space<hbm>>) target_semaphore(%run_scoped3A : memref<!tpu.dma_semaphore, #tpu.memory_space<semaphore_mem>>)
      %dma_wait3A_11 = arith.constant 0 : i32
      %dma_wait3A_12 = tpu.memref_slice %arg4[%mul3A_2, %dma_wait3A_11] : memref<12288x128xf32, #tpu.memory_space<hbm>> -> memref<384x128xf32, #tpu.memory_space<hbm>>
      %dma_wait3A_13 = arith.constant 0 : i32
      %dma_wait3A_14 = tpu.memref_slice %arg4[%mul3A_2, %dma_wait3A_13] : memref<12288x128xf32, #tpu.memory_space<hbm>> -> memref<384x128xf32, #tpu.memory_space<hbm>>
      tpu.wait_dma2 semaphore(%run_scoped3A : memref<!tpu.dma_semaphore, #tpu.memory_space<semaphore_mem>>) src(%arg6 : memref<384x128xf32, #tpu.memory_space<vmem>>) dst(%dma_wait3A_14 : memref<384x128xf32, #tpu.memory_space<hbm>>)
      tpu.yield
    }) : () -> ()
    return
  }
}

#map = affine_map<(d0, d1) -> (0, 0)>
#map1 = affine_map<(d0, d1) -> (0)>
module attributes {stable_mosaic.version = 14 : i64} {
  func.func @gather_kernel(%arg0: i32, %arg1: i32, %arg2: memref<256x128xf32, #tpu.memory_space<hbm>>, %arg3: memref<4096xi32, #tpu.memory_space<hbm>>, %arg4: memref<4096x128xf32, #tpu.memory_space<hbm>>, %arg5: memref<128xi32, #tpu.memory_space<vmem>>, %arg6: memref<128x128xf32, #tpu.memory_space<vmem>>, %arg7: memref<!tpu.dma_semaphore, #tpu.memory_space<semaphore_mem>>) attributes {dimension_semantics = [#tpu.dimension_semantics<core_parallel>, #tpu.dimension_semantics<subcore_parallel>], iteration_bounds = array<i64: 2, 16>, scalar_prefetch = 0 : i64, scratch_operands = 3 : i64, tpu.core_type = #tpu.core_type<sc_vector_subcore>, window_params = [{transform_indices = #map}, {transform_indices = #map1}, {transform_indices = #map}]} {
    %mul3A = arith.constant 2 : i32
    %mul3A_0 = arith.muli %arg1, %mul3A : i32
    %add3A = arith.addi %mul3A_0, %arg0 : i32
    %mul3A_1 = arith.constant 128 : i32
    %mul3A_2 = arith.muli %add3A, %mul3A_1 : i32
    "tpu.region"() ({
      %run_scoped3A = tpu.sem_alloc : memref<!tpu.dma_semaphore, #tpu.memory_space<semaphore_mem>>
      %dma_start3A_7 = tpu.memref_slice %arg3[%mul3A_2] : memref<4096xi32, #tpu.memory_space<hbm>> -> memref<128xi32, #tpu.memory_space<hbm>>
      %dma_start3A_8 = tpu.memref_slice %arg3[%mul3A_2] : memref<4096xi32, #tpu.memory_space<hbm>> -> memref<128xi32, #tpu.memory_space<hbm>>
      tpu.enqueue_dma source(%dma_start3A_8 : memref<128xi32, #tpu.memory_space<hbm>>) target(%arg5 : memref<128xi32, #tpu.memory_space<vmem>>) target_semaphore(%run_scoped3A : memref<!tpu.dma_semaphore, #tpu.memory_space<semaphore_mem>>)
      %dma_wait3A_9 = tpu.memref_slice %arg3[%mul3A_2] : memref<4096xi32, #tpu.memory_space<hbm>> -> memref<128xi32, #tpu.memory_space<hbm>>
      %dma_wait3A_10 = tpu.memref_slice %arg3[%mul3A_2] : memref<4096xi32, #tpu.memory_space<hbm>> -> memref<128xi32, #tpu.memory_space<hbm>>
      tpu.wait_dma2 semaphore(%run_scoped3A : memref<!tpu.dma_semaphore, #tpu.memory_space<semaphore_mem>>) src(%dma_wait3A_10 : memref<128xi32, #tpu.memory_space<hbm>>) dst(%arg5 : memref<128xi32, #tpu.memory_space<vmem>>)
      tpu.yield
    }) : () -> ()
    %dma_start3A = arith.constant 0 : i32
    %dma_start3A_3 = arith.constant 0 : i32
    %dma_start3A_4 = tpu.memref_slice %arg2[%dma_start3A, %dma_start3A_3] : memref<256x128xf32, #tpu.memory_space<hbm>> -> memref<256x128xf32, #tpu.memory_space<hbm>>
    tpu.enqueue_indirect_dma source(%dma_start3A_4 : memref<256x128xf32, #tpu.memory_space<hbm>>) target(%arg6 : memref<128x128xf32, #tpu.memory_space<vmem>>) offsets(%arg5 : memref<128xi32, #tpu.memory_space<vmem>>) semaphore(%arg7 : memref<!tpu.dma_semaphore, #tpu.memory_space<semaphore_mem>>)
    %dma_wait3A = arith.constant 0 : i32
    %dma_wait3A_5 = arith.constant 0 : i32
    %dma_wait3A_6 = tpu.memref_slice %arg2[%dma_wait3A, %dma_wait3A_5] : memref<256x128xf32, #tpu.memory_space<hbm>> -> memref<256x128xf32, #tpu.memory_space<hbm>>
    tpu.wait_indirect_dma semaphore(%arg7 : memref<!tpu.dma_semaphore, #tpu.memory_space<semaphore_mem>>) src(%dma_wait3A_6 : memref<256x128xf32, #tpu.memory_space<hbm>>) dst(%arg6 : memref<128x128xf32, #tpu.memory_space<vmem>>)
    "tpu.region"() ({
      %run_scoped3A = tpu.sem_alloc : memref<!tpu.dma_semaphore, #tpu.memory_space<semaphore_mem>>
      %dma_start3A_7 = arith.constant 0 : i32
      %dma_start3A_8 = tpu.memref_slice %arg4[%mul3A_2, %dma_start3A_7] : memref<4096x128xf32, #tpu.memory_space<hbm>> -> memref<128x128xf32, #tpu.memory_space<hbm>>
      %dma_start3A_9 = arith.constant 0 : i32
      %dma_start3A_10 = tpu.memref_slice %arg4[%mul3A_2, %dma_start3A_9] : memref<4096x128xf32, #tpu.memory_space<hbm>> -> memref<128x128xf32, #tpu.memory_space<hbm>>
      tpu.enqueue_dma source(%arg6 : memref<128x128xf32, #tpu.memory_space<vmem>>) target(%dma_start3A_10 : memref<128x128xf32, #tpu.memory_space<hbm>>) target_semaphore(%run_scoped3A : memref<!tpu.dma_semaphore, #tpu.memory_space<semaphore_mem>>)
      %dma_wait3A_11 = arith.constant 0 : i32
      %dma_wait3A_12 = tpu.memref_slice %arg4[%mul3A_2, %dma_wait3A_11] : memref<4096x128xf32, #tpu.memory_space<hbm>> -> memref<128x128xf32, #tpu.memory_space<hbm>>
      %dma_wait3A_13 = arith.constant 0 : i32
      %dma_wait3A_14 = tpu.memref_slice %arg4[%mul3A_2, %dma_wait3A_13] : memref<4096x128xf32, #tpu.memory_space<hbm>> -> memref<128x128xf32, #tpu.memory_space<hbm>>
      tpu.wait_dma2 semaphore(%run_scoped3A : memref<!tpu.dma_semaphore, #tpu.memory_space<semaphore_mem>>) src(%arg6 : memref<128x128xf32, #tpu.memory_space<vmem>>) dst(%dma_wait3A_14 : memref<128x128xf32, #tpu.memory_space<hbm>>)
      tpu.yield
    }) : () -> ()
    return
  }
}

module attributes {stable_mosaic.version = 14 : i64} {
  func.func @_conv_body(%arg0: i32, %arg1: memref<4x1024x128xf32, #tpu.memory_space<vmem>>, %arg2: memref<640x256xf8E4M3FN, #tpu.memory_space<vmem>>, %arg3: memref<512x256xf8E4M3FN, #tpu.memory_space<vmem>>, %arg4: memref<384x256xf8E4M3FN, #tpu.memory_space<vmem>>, %arg5: memref<1x768xf32, #tpu.memory_space<vmem>>, %arg6: memref<4x3x256xf32, #tpu.memory_space<vmem>>, %arg7: memref<4096x640xf8E4M3FN, #tpu.memory_space<vmem>>) attributes {dimension_semantics = [#tpu.dimension_semantics<arbitrary>], iteration_bounds = array<i64: 3>, scalar_prefetch = 0 : i64, scratch_operands = 1 : i64, tpu.core_type = #tpu.core_type<tc>, window_params = [{transform_indices = @transform_0, window_bounds = array<i64: 4, 1024, 128>}, {pipeline_mode = #tpu.pipeline_mode<synchronous>, transform_indices = @transform_1, window_bounds = array<i64: 640, 256>}, {pipeline_mode = #tpu.pipeline_mode<synchronous>, transform_indices = @transform_2, window_bounds = array<i64: 512, 256>}, {pipeline_mode = #tpu.pipeline_mode<synchronous>, transform_indices = @transform_3, window_bounds = array<i64: 384, 256>}, {pipeline_mode = #tpu.pipeline_mode<synchronous>, transform_indices = @transform_4, window_bounds = array<i64: 1, 768>}, {transform_indices = @transform_5, window_bounds = array<i64: 4, 3, 256>}]} {
    %get3A = arith.constant 0 : index
    %get3A_0 = arith.constant 0 : index
    %get3A_1 = arith.constant 0 : index
    %get3A_2 = vector.load %arg1[%get3A, %get3A_0, %get3A_1] : memref<4x1024x128xf32, #tpu.memory_space<vmem>>, vector<4x1024x128xf32>
    %reshape3A = vector.shape_cast %get3A_2 : vector<4x1024x128xf32> to vector<4096x128xf32>
    %mul3A = arith.constant 8.000000e+00 : f32
    %mul3A_3 = vector.broadcast %mul3A : f32 to vector<4096x128xf32>
    %mul3A_4 = arith.mulf %reshape3A, %mul3A_3 : vector<4096x128xf32>
    %convert_element_type3A = arith.truncf %mul3A_4 : vector<4096x128xf32> to vector<4096x128xf8E4M3FN>
    %swap3A = arith.constant 0 : index
    %swap3A_5 = arith.constant 0 : index
    %swap3A_6 = vector.load %arg7[%swap3A, %swap3A_5] : memref<4096x640xf8E4M3FN, #tpu.memory_space<vmem>>, vector<4096x128xf8E4M3FN>
    tpu.vector_store %arg7[%swap3A, %swap3A_5], %convert_element_type3A {strides = array<i32>} : memref<4096x640xf8E4M3FN, #tpu.memory_space<vmem>>, vector<4096x128xf8E4M3FN>,
    %slice3A = vector.extract_strided_slice %convert_element_type3A {offsets = [1, 0], sizes = [4095, 128], strides = [1, 1]} : vector<4096x128xf8E4M3FN> to vector<4095x128xf8E4M3FN>
    %swap3A_7 = arith.constant 0 : index
    %swap3A_8 = arith.constant 128 : index
    %swap3A_9 = vector.load %arg7[%swap3A_7, %swap3A_8] : memref<4096x640xf8E4M3FN, #tpu.memory_space<vmem>>, vector<4095x128xf8E4M3FN>
    tpu.vector_store %arg7[%swap3A_7, %swap3A_8], %slice3A {strides = array<i32>} : memref<4096x640xf8E4M3FN, #tpu.memory_space<vmem>>, vector<4095x128xf8E4M3FN>,
    %broadcast_in_dim3A = arith.constant 0.000000e+00 : f8E4M3FN
    %broadcast_in_dim3A_10 = vector.broadcast %broadcast_in_dim3A : f8E4M3FN to vector<1x128xf8E4M3FN>
    %swap3A_11 = arith.constant 4095 : index
    %swap3A_12 = arith.constant 128 : index
    %swap3A_13 = vector.load %arg7[%swap3A_11, %swap3A_12] : memref<4096x640xf8E4M3FN, #tpu.memory_space<vmem>>, vector<1x128xf8E4M3FN>
    tpu.vector_store %arg7[%swap3A_11, %swap3A_12], %broadcast_in_dim3A_10 {strides = array<i32>} : memref<4096x640xf8E4M3FN, #tpu.memory_space<vmem>>, vector<1x128xf8E4M3FN>,
    %slice3A_14 = vector.extract_strided_slice %convert_element_type3A {offsets = [2, 0], sizes = [4094, 128], strides = [1, 1]} : vector<4096x128xf8E4M3FN> to vector<4094x128xf8E4M3FN>
    %swap3A_15 = arith.constant 0 : index
    %swap3A_16 = arith.constant 256 : index
    %swap3A_17 = vector.load %arg7[%swap3A_15, %swap3A_16] : memref<4096x640xf8E4M3FN, #tpu.memory_space<vmem>>, vector<4094x128xf8E4M3FN>
    tpu.vector_store %arg7[%swap3A_15, %swap3A_16], %slice3A_14 {strides = array<i32>} : memref<4096x640xf8E4M3FN, #tpu.memory_space<vmem>>, vector<4094x128xf8E4M3FN>,
    %broadcast_in_dim3A_18 = arith.constant 0.000000e+00 : f8E4M3FN
    %broadcast_in_dim3A_19 = vector.broadcast %broadcast_in_dim3A_18 : f8E4M3FN to vector<2x128xf8E4M3FN>
    %swap3A_20 = arith.constant 4094 : index
    %swap3A_21 = arith.constant 256 : index
    %swap3A_22 = vector.load %arg7[%swap3A_20, %swap3A_21] : memref<4096x640xf8E4M3FN, #tpu.memory_space<vmem>>, vector<2x128xf8E4M3FN>
    tpu.vector_store %arg7[%swap3A_20, %swap3A_21], %broadcast_in_dim3A_19 {strides = array<i32>} : memref<4096x640xf8E4M3FN, #tpu.memory_space<vmem>>, vector<2x128xf8E4M3FN>,
    %slice3A_23 = vector.extract_strided_slice %convert_element_type3A {offsets = [3, 0], sizes = [4093, 128], strides = [1, 1]} : vector<4096x128xf8E4M3FN> to vector<4093x128xf8E4M3FN>
    %swap3A_24 = arith.constant 0 : index
    %swap3A_25 = arith.constant 384 : index
    %swap3A_26 = vector.load %arg7[%swap3A_24, %swap3A_25] : memref<4096x640xf8E4M3FN, #tpu.memory_space<vmem>>, vector<4093x128xf8E4M3FN>
    tpu.vector_store %arg7[%swap3A_24, %swap3A_25], %slice3A_23 {strides = array<i32>} : memref<4096x640xf8E4M3FN, #tpu.memory_space<vmem>>, vector<4093x128xf8E4M3FN>,
    %broadcast_in_dim3A_27 = arith.constant 0.000000e+00 : f8E4M3FN
    %broadcast_in_dim3A_28 = vector.broadcast %broadcast_in_dim3A_27 : f8E4M3FN to vector<3x128xf8E4M3FN>
    %swap3A_29 = arith.constant 4093 : index
    %swap3A_30 = arith.constant 384 : index
    %swap3A_31 = vector.load %arg7[%swap3A_29, %swap3A_30] : memref<4096x640xf8E4M3FN, #tpu.memory_space<vmem>>, vector<3x128xf8E4M3FN>
    tpu.vector_store %arg7[%swap3A_29, %swap3A_30], %broadcast_in_dim3A_28 {strides = array<i32>} : memref<4096x640xf8E4M3FN, #tpu.memory_space<vmem>>, vector<3x128xf8E4M3FN>,
    %slice3A_32 = vector.extract_strided_slice %convert_element_type3A {offsets = [4, 0], sizes = [4092, 128], strides = [1, 1]} : vector<4096x128xf8E4M3FN> to vector<4092x128xf8E4M3FN>
    %swap3A_33 = arith.constant 0 : index
    %swap3A_34 = arith.constant 512 : index
    %swap3A_35 = vector.load %arg7[%swap3A_33, %swap3A_34] : memref<4096x640xf8E4M3FN, #tpu.memory_space<vmem>>, vector<4092x128xf8E4M3FN>
    tpu.vector_store %arg7[%swap3A_33, %swap3A_34], %slice3A_32 {strides = array<i32>} : memref<4096x640xf8E4M3FN, #tpu.memory_space<vmem>>, vector<4092x128xf8E4M3FN>,
    %broadcast_in_dim3A_36 = arith.constant 0.000000e+00 : f8E4M3FN
    %broadcast_in_dim3A_37 = vector.broadcast %broadcast_in_dim3A_36 : f8E4M3FN to vector<4x128xf8E4M3FN>
    %swap3A_38 = arith.constant 4092 : index
    %swap3A_39 = arith.constant 512 : index
    %swap3A_40 = vector.load %arg7[%swap3A_38, %swap3A_39] : memref<4096x640xf8E4M3FN, #tpu.memory_space<vmem>>, vector<4x128xf8E4M3FN>
    tpu.vector_store %arg7[%swap3A_38, %swap3A_39], %broadcast_in_dim3A_37 {strides = array<i32>} : memref<4096x640xf8E4M3FN, #tpu.memory_space<vmem>>, vector<4x128xf8E4M3FN>,
    %get3A_41 = arith.constant 0 : index
    %get3A_42 = arith.constant 0 : index
    %get3A_43 = vector.load %arg7[%get3A_41, %get3A_42] : memref<4096x640xf8E4M3FN, #tpu.memory_space<vmem>>, vector<4096x640xf8E4M3FN>
    %get3A_44 = arith.constant 0 : index
    %get3A_45 = arith.constant 0 : index
    %get3A_46 = vector.load %arg2[%get3A_44, %get3A_45] : memref<640x256xf8E4M3FN, #tpu.memory_space<vmem>>, vector<640x256xf8E4M3FN>
    %dot_general3A = arith.constant dense<0.000000e+00> : vector<4096x256xf32>
    %dot_general3A_47 = tpu.matmul %get3A_43, %get3A_46, %dot_general3A {dimension_numbers = #tpu.dot_dimension_numbers<[1], [0], [0], [1], [0, 0, 1, 1], [], []>, transpose_lhs_hint = false} : vector<4096x640xf8E4M3FN>, vector<640x256xf8E4M3FN>, vector<4096x256xf32> -> vector<4096x256xf32>
    %get3A_48 = arith.constant 0 : index
    %get3A_49 = arith.constant 0 : index
    %get3A_50 = vector.load %arg5[%get3A_48, %get3A_49] : memref<1x768xf32, #tpu.memory_space<vmem>>, vector<1x256xf32>
    %get3A_51 = vector.shape_cast %get3A_50 : vector<1x256xf32> to vector<256xf32>
    %slice3A_52 = vector.extract_strided_slice %dot_general3A_47 {offsets = [0, 0], sizes = [1020, 256], strides = [1, 1]} : vector<4096x256xf32> to vector<1020x256xf32>
    %reduce_max3A = arith.constant dense<0xFF800000> : vector<256xf32>
    %reduce_max3A_53 = vector.multi_reduction <maximumf>, %slice3A_52, %reduce_max3A [0] : vector<1020x256xf32> to vector<256xf32>
    %mul3A_54 = arith.constant 1.562500e-02 : f32
    %mul3A_55 = vector.broadcast %mul3A_54 : f32 to vector<256xf32>
    %mul3A_56 = arith.mulf %reduce_max3A_53, %mul3A_55 : vector<256xf32>
    %add3A = arith.addf %mul3A_56, %get3A_51 : vector<256xf32>
    %max3A = arith.constant 0.000000e+00 : f32
    %max3A_57 = vector.broadcast %max3A : f32 to vector<256xf32>
    %max3A_58 = arith.maximumf %add3A, %max3A_57 : vector<256xf32>
    %swap3A_59 = arith.constant 0 : index
    %swap3A_60 = arith.constant 0 : index
    %swap3A_61 = arith.constant 0 : index
    %swap3A_62 = vector.load %arg6[%swap3A_59, %swap3A_60, %swap3A_61] : memref<4x3x256xf32, #tpu.memory_space<vmem>>, vector<1x1x256xf32>
    %swap3A_63 = vector.shape_cast %swap3A_62 : vector<1x1x256xf32> to vector<256xf32>
    %swap3A_64 = vector.shape_cast %max3A_58 : vector<256xf32> to vector<1x1x256xf32>
    tpu.vector_store %arg6[%swap3A_59, %swap3A_60, %swap3A_61], %swap3A_64 {strides = array<i32>} : memref<4x3x256xf32, #tpu.memory_space<vmem>>, vector<1x1x256xf32>,
    %slice3A_65 = vector.extract_strided_slice %dot_general3A_47 {offsets = [1024, 0], sizes = [1020, 256], strides = [1, 1]} : vector<4096x256xf32> to vector<1020x256xf32>
    %reduce_max3A_66 = arith.constant dense<0xFF800000> : vector<256xf32>
    %reduce_max3A_67 = vector.multi_reduction <maximumf>, %slice3A_65, %reduce_max3A_66 [0] : vector<1020x256xf32> to vector<256xf32>
    %mul3A_68 = arith.constant 1.562500e-02 : f32
    %mul3A_69 = vector.broadcast %mul3A_68 : f32 to vector<256xf32>
    %mul3A_70 = arith.mulf %reduce_max3A_67, %mul3A_69 : vector<256xf32>
    %add3A_71 = arith.addf %mul3A_70, %get3A_51 : vector<256xf32>
    %max3A_72 = arith.constant 0.000000e+00 : f32
    %max3A_73 = vector.broadcast %max3A_72 : f32 to vector<256xf32>
    %max3A_74 = arith.maximumf %add3A_71, %max3A_73 : vector<256xf32>
    %swap3A_75 = arith.constant 1 : index
    %swap3A_76 = arith.constant 0 : index
    %swap3A_77 = arith.constant 0 : index
    %swap3A_78 = vector.load %arg6[%swap3A_75, %swap3A_76, %swap3A_77] : memref<4x3x256xf32, #tpu.memory_space<vmem>>, vector<1x1x256xf32>
    %swap3A_79 = vector.shape_cast %swap3A_78 : vector<1x1x256xf32> to vector<256xf32>
    %swap3A_80 = vector.shape_cast %max3A_74 : vector<256xf32> to vector<1x1x256xf32>
    tpu.vector_store %arg6[%swap3A_75, %swap3A_76, %swap3A_77], %swap3A_80 {strides = array<i32>} : memref<4x3x256xf32, #tpu.memory_space<vmem>>, vector<1x1x256xf32>,
    %slice3A_81 = vector.extract_strided_slice %dot_general3A_47 {offsets = [2048, 0], sizes = [1020, 256], strides = [1, 1]} : vector<4096x256xf32> to vector<1020x256xf32>
    %reduce_max3A_82 = arith.constant dense<0xFF800000> : vector<256xf32>
    %reduce_max3A_83 = vector.multi_reduction <maximumf>, %slice3A_81, %reduce_max3A_82 [0] : vector<1020x256xf32> to vector<256xf32>
    %mul3A_84 = arith.constant 1.562500e-02 : f32
    %mul3A_85 = vector.broadcast %mul3A_84 : f32 to vector<256xf32>
    %mul3A_86 = arith.mulf %reduce_max3A_83, %mul3A_85 : vector<256xf32>
    %add3A_87 = arith.addf %mul3A_86, %get3A_51 : vector<256xf32>
    %max3A_88 = arith.constant 0.000000e+00 : f32
    %max3A_89 = vector.broadcast %max3A_88 : f32 to vector<256xf32>
    %max3A_90 = arith.maximumf %add3A_87, %max3A_89 : vector<256xf32>
    %swap3A_91 = arith.constant 2 : index
    %swap3A_92 = arith.constant 0 : index
    %swap3A_93 = arith.constant 0 : index
    %swap3A_94 = vector.load %arg6[%swap3A_91, %swap3A_92, %swap3A_93] : memref<4x3x256xf32, #tpu.memory_space<vmem>>, vector<1x1x256xf32>
    %swap3A_95 = vector.shape_cast %swap3A_94 : vector<1x1x256xf32> to vector<256xf32>
    %swap3A_96 = vector.shape_cast %max3A_90 : vector<256xf32> to vector<1x1x256xf32>
    tpu.vector_store %arg6[%swap3A_91, %swap3A_92, %swap3A_93], %swap3A_96 {strides = array<i32>} : memref<4x3x256xf32, #tpu.memory_space<vmem>>, vector<1x1x256xf32>,
    %slice3A_97 = vector.extract_strided_slice %dot_general3A_47 {offsets = [3072, 0], sizes = [1020, 256], strides = [1, 1]} : vector<4096x256xf32> to vector<1020x256xf32>
    %reduce_max3A_98 = arith.constant dense<0xFF800000> : vector<256xf32>
    %reduce_max3A_99 = vector.multi_reduction <maximumf>, %slice3A_97, %reduce_max3A_98 [0] : vector<1020x256xf32> to vector<256xf32>
    %mul3A_100 = arith.constant 1.562500e-02 : f32
    %mul3A_101 = vector.broadcast %mul3A_100 : f32 to vector<256xf32>
    %mul3A_102 = arith.mulf %reduce_max3A_99, %mul3A_101 : vector<256xf32>
    %add3A_103 = arith.addf %mul3A_102, %get3A_51 : vector<256xf32>
    %max3A_104 = arith.constant 0.000000e+00 : f32
    %max3A_105 = vector.broadcast %max3A_104 : f32 to vector<256xf32>
    %max3A_106 = arith.maximumf %add3A_103, %max3A_105 : vector<256xf32>
    %swap3A_107 = arith.constant 3 : index
    %swap3A_108 = arith.constant 0 : index
    %swap3A_109 = arith.constant 0 : index
    %swap3A_110 = vector.load %arg6[%swap3A_107, %swap3A_108, %swap3A_109] : memref<4x3x256xf32, #tpu.memory_space<vmem>>, vector<1x1x256xf32>
    %swap3A_111 = vector.shape_cast %swap3A_110 : vector<1x1x256xf32> to vector<256xf32>
    %swap3A_112 = vector.shape_cast %max3A_106 : vector<256xf32> to vector<1x1x256xf32>
    tpu.vector_store %arg6[%swap3A_107, %swap3A_108, %swap3A_109], %swap3A_112 {strides = array<i32>} : memref<4x3x256xf32, #tpu.memory_space<vmem>>, vector<1x1x256xf32>,
    %slice3A_113 = vector.extract_strided_slice %get3A_43 {offsets = [0, 0], sizes = [4096, 512], strides = [1, 1]} : vector<4096x640xf8E4M3FN> to vector<4096x512xf8E4M3FN>
    %get3A_114 = arith.constant 0 : index
    %get3A_115 = arith.constant 0 : index
    %get3A_116 = vector.load %arg3[%get3A_114, %get3A_115] : memref<512x256xf8E4M3FN, #tpu.memory_space<vmem>>, vector<512x256xf8E4M3FN>
    %dot_general3A_117 = arith.constant dense<0.000000e+00> : vector<4096x256xf32>
    %dot_general3A_118 = tpu.matmul %slice3A_113, %get3A_116, %dot_general3A_117 {dimension_numbers = #tpu.dot_dimension_numbers<[1], [0], [0], [1], [0, 0, 1, 1], [], []>, transpose_lhs_hint = false} : vector<4096x512xf8E4M3FN>, vector<512x256xf8E4M3FN>, vector<4096x256xf32> -> vector<4096x256xf32>
    %get3A_119 = arith.constant 0 : index
    %get3A_120 = arith.constant 256 : index
    %get3A_121 = vector.load %arg5[%get3A_119, %get3A_120] : memref<1x768xf32, #tpu.memory_space<vmem>>, vector<1x256xf32>
    %get3A_122 = vector.shape_cast %get3A_121 : vector<1x256xf32> to vector<256xf32>
    %slice3A_123 = vector.extract_strided_slice %dot_general3A_118 {offsets = [0, 0], sizes = [1021, 256], strides = [1, 1]} : vector<4096x256xf32> to vector<1021x256xf32>
    %reduce_max3A_124 = arith.constant dense<0xFF800000> : vector<256xf32>
    %reduce_max3A_125 = vector.multi_reduction <maximumf>, %slice3A_123, %reduce_max3A_124 [0] : vector<1021x256xf32> to vector<256xf32>
    %mul3A_126 = arith.constant 1.562500e-02 : f32
    %mul3A_127 = vector.broadcast %mul3A_126 : f32 to vector<256xf32>
    %mul3A_128 = arith.mulf %reduce_max3A_125, %mul3A_127 : vector<256xf32>
    %add3A_129 = arith.addf %mul3A_128, %get3A_122 : vector<256xf32>
    %max3A_130 = arith.constant 0.000000e+00 : f32
    %max3A_131 = vector.broadcast %max3A_130 : f32 to vector<256xf32>
    %max3A_132 = arith.maximumf %add3A_129, %max3A_131 : vector<256xf32>
    %swap3A_133 = arith.constant 0 : index
    %swap3A_134 = arith.constant 1 : index
    %swap3A_135 = arith.constant 0 : index
    %swap3A_136 = vector.load %arg6[%swap3A_133, %swap3A_134, %swap3A_135] : memref<4x3x256xf32, #tpu.memory_space<vmem>>, vector<1x1x256xf32>
    %swap3A_137 = vector.shape_cast %swap3A_136 : vector<1x1x256xf32> to vector<256xf32>
    %swap3A_138 = vector.shape_cast %max3A_132 : vector<256xf32> to vector<1x1x256xf32>
    tpu.vector_store %arg6[%swap3A_133, %swap3A_134, %swap3A_135], %swap3A_138 {strides = array<i32>} : memref<4x3x256xf32, #tpu.memory_space<vmem>>, vector<1x1x256xf32>,
    %slice3A_139 = vector.extract_strided_slice %dot_general3A_118 {offsets = [1024, 0], sizes = [1021, 256], strides = [1, 1]} : vector<4096x256xf32> to vector<1021x256xf32>
    %reduce_max3A_140 = arith.constant dense<0xFF800000> : vector<256xf32>
    %reduce_max3A_141 = vector.multi_reduction <maximumf>, %slice3A_139, %reduce_max3A_140 [0] : vector<1021x256xf32> to vector<256xf32>
    %mul3A_142 = arith.constant 1.562500e-02 : f32
    %mul3A_143 = vector.broadcast %mul3A_142 : f32 to vector<256xf32>
    %mul3A_144 = arith.mulf %reduce_max3A_141, %mul3A_143 : vector<256xf32>
    %add3A_145 = arith.addf %mul3A_144, %get3A_122 : vector<256xf32>
    %max3A_146 = arith.constant 0.000000e+00 : f32
    %max3A_147 = vector.broadcast %max3A_146 : f32 to vector<256xf32>
    %max3A_148 = arith.maximumf %add3A_145, %max3A_147 : vector<256xf32>
    %swap3A_149 = arith.constant 1 : index
    %swap3A_150 = arith.constant 1 : index
    %swap3A_151 = arith.constant 0 : index
    %swap3A_152 = vector.load %arg6[%swap3A_149, %swap3A_150, %swap3A_151] : memref<4x3x256xf32, #tpu.memory_space<vmem>>, vector<1x1x256xf32>
    %swap3A_153 = vector.shape_cast %swap3A_152 : vector<1x1x256xf32> to vector<256xf32>
    %swap3A_154 = vector.shape_cast %max3A_148 : vector<256xf32> to vector<1x1x256xf32>
    tpu.vector_store %arg6[%swap3A_149, %swap3A_150, %swap3A_151], %swap3A_154 {strides = array<i32>} : memref<4x3x256xf32, #tpu.memory_space<vmem>>, vector<1x1x256xf32>,
    %slice3A_155 = vector.extract_strided_slice %dot_general3A_118 {offsets = [2048, 0], sizes = [1021, 256], strides = [1, 1]} : vector<4096x256xf32> to vector<1021x256xf32>
    %reduce_max3A_156 = arith.constant dense<0xFF800000> : vector<256xf32>
    %reduce_max3A_157 = vector.multi_reduction <maximumf>, %slice3A_155, %reduce_max3A_156 [0] : vector<1021x256xf32> to vector<256xf32>
    %mul3A_158 = arith.constant 1.562500e-02 : f32
    %mul3A_159 = vector.broadcast %mul3A_158 : f32 to vector<256xf32>
    %mul3A_160 = arith.mulf %reduce_max3A_157, %mul3A_159 : vector<256xf32>
    %add3A_161 = arith.addf %mul3A_160, %get3A_122 : vector<256xf32>
    %max3A_162 = arith.constant 0.000000e+00 : f32
    %max3A_163 = vector.broadcast %max3A_162 : f32 to vector<256xf32>
    %max3A_164 = arith.maximumf %add3A_161, %max3A_163 : vector<256xf32>
    %swap3A_165 = arith.constant 2 : index
    %swap3A_166 = arith.constant 1 : index
    %swap3A_167 = arith.constant 0 : index
    %swap3A_168 = vector.load %arg6[%swap3A_165, %swap3A_166, %swap3A_167] : memref<4x3x256xf32, #tpu.memory_space<vmem>>, vector<1x1x256xf32>
    %swap3A_169 = vector.shape_cast %swap3A_168 : vector<1x1x256xf32> to vector<256xf32>
    %swap3A_170 = vector.shape_cast %max3A_164 : vector<256xf32> to vector<1x1x256xf32>
    tpu.vector_store %arg6[%swap3A_165, %swap3A_166, %swap3A_167], %swap3A_170 {strides = array<i32>} : memref<4x3x256xf32, #tpu.memory_space<vmem>>, vector<1x1x256xf32>,
    %slice3A_171 = vector.extract_strided_slice %dot_general3A_118 {offsets = [3072, 0], sizes = [1021, 256], strides = [1, 1]} : vector<4096x256xf32> to vector<1021x256xf32>
    %reduce_max3A_172 = arith.constant dense<0xFF800000> : vector<256xf32>
    %reduce_max3A_173 = vector.multi_reduction <maximumf>, %slice3A_171, %reduce_max3A_172 [0] : vector<1021x256xf32> to vector<256xf32>
    %mul3A_174 = arith.constant 1.562500e-02 : f32
    %mul3A_175 = vector.broadcast %mul3A_174 : f32 to vector<256xf32>
    %mul3A_176 = arith.mulf %reduce_max3A_173, %mul3A_175 : vector<256xf32>
    %add3A_177 = arith.addf %mul3A_176, %get3A_122 : vector<256xf32>
    %max3A_178 = arith.constant 0.000000e+00 : f32
    %max3A_179 = vector.broadcast %max3A_178 : f32 to vector<256xf32>
    %max3A_180 = arith.maximumf %add3A_177, %max3A_179 : vector<256xf32>
    %swap3A_181 = arith.constant 3 : index
    %swap3A_182 = arith.constant 1 : index
    %swap3A_183 = arith.constant 0 : index
    %swap3A_184 = vector.load %arg6[%swap3A_181, %swap3A_182, %swap3A_183] : memref<4x3x256xf32, #tpu.memory_space<vmem>>, vector<1x1x256xf32>
    %swap3A_185 = vector.shape_cast %swap3A_184 : vector<1x1x256xf32> to vector<256xf32>
    %swap3A_186 = vector.shape_cast %max3A_180 : vector<256xf32> to vector<1x1x256xf32>
    tpu.vector_store %arg6[%swap3A_181, %swap3A_182, %swap3A_183], %swap3A_186 {strides = array<i32>} : memref<4x3x256xf32, #tpu.memory_space<vmem>>, vector<1x1x256xf32>,
    %slice3A_187 = vector.extract_strided_slice %get3A_43 {offsets = [0, 0], sizes = [4096, 384], strides = [1, 1]} : vector<4096x640xf8E4M3FN> to vector<4096x384xf8E4M3FN>
    %get3A_188 = arith.constant 0 : index
    %get3A_189 = arith.constant 0 : index
    %get3A_190 = vector.load %arg4[%get3A_188, %get3A_189] : memref<384x256xf8E4M3FN, #tpu.memory_space<vmem>>, vector<384x256xf8E4M3FN>
    %dot_general3A_191 = arith.constant dense<0.000000e+00> : vector<4096x256xf32>
    %dot_general3A_192 = tpu.matmul %slice3A_187, %get3A_190, %dot_general3A_191 {dimension_numbers = #tpu.dot_dimension_numbers<[1], [0], [0], [1], [0, 0, 1, 1], [], []>, transpose_lhs_hint = false} : vector<4096x384xf8E4M3FN>, vector<384x256xf8E4M3FN>, vector<4096x256xf32> -> vector<4096x256xf32>
    %get3A_193 = arith.constant 0 : index
    %get3A_194 = arith.constant 512 : index
    %get3A_195 = vector.load %arg5[%get3A_193, %get3A_194] : memref<1x768xf32, #tpu.memory_space<vmem>>, vector<1x256xf32>
    %get3A_196 = vector.shape_cast %get3A_195 : vector<1x256xf32> to vector<256xf32>
    %slice3A_197 = vector.extract_strided_slice %dot_general3A_192 {offsets = [0, 0], sizes = [1022, 256], strides = [1, 1]} : vector<4096x256xf32> to vector<1022x256xf32>
    %reduce_max3A_198 = arith.constant dense<0xFF800000> : vector<256xf32>
    %reduce_max3A_199 = vector.multi_reduction <maximumf>, %slice3A_197, %reduce_max3A_198 [0] : vector<1022x256xf32> to vector<256xf32>
    %mul3A_200 = arith.constant 1.562500e-02 : f32
    %mul3A_201 = vector.broadcast %mul3A_200 : f32 to vector<256xf32>
    %mul3A_202 = arith.mulf %reduce_max3A_199, %mul3A_201 : vector<256xf32>
    %add3A_203 = arith.addf %mul3A_202, %get3A_196 : vector<256xf32>
    %max3A_204 = arith.constant 0.000000e+00 : f32
    %max3A_205 = vector.broadcast %max3A_204 : f32 to vector<256xf32>
    %max3A_206 = arith.maximumf %add3A_203, %max3A_205 : vector<256xf32>
    %swap3A_207 = arith.constant 0 : index
    %swap3A_208 = arith.constant 2 : index
    %swap3A_209 = arith.constant 0 : index
    %swap3A_210 = vector.load %arg6[%swap3A_207, %swap3A_208, %swap3A_209] : memref<4x3x256xf32, #tpu.memory_space<vmem>>, vector<1x1x256xf32>
    %swap3A_211 = vector.shape_cast %swap3A_210 : vector<1x1x256xf32> to vector<256xf32>
    %swap3A_212 = vector.shape_cast %max3A_206 : vector<256xf32> to vector<1x1x256xf32>
    tpu.vector_store %arg6[%swap3A_207, %swap3A_208, %swap3A_209], %swap3A_212 {strides = array<i32>} : memref<4x3x256xf32, #tpu.memory_space<vmem>>, vector<1x1x256xf32>,
    %slice3A_213 = vector.extract_strided_slice %dot_general3A_192 {offsets = [1024, 0], sizes = [1022, 256], strides = [1, 1]} : vector<4096x256xf32> to vector<1022x256xf32>
    %reduce_max3A_214 = arith.constant dense<0xFF800000> : vector<256xf32>
    %reduce_max3A_215 = vector.multi_reduction <maximumf>, %slice3A_213, %reduce_max3A_214 [0] : vector<1022x256xf32> to vector<256xf32>
    %mul3A_216 = arith.constant 1.562500e-02 : f32
    %mul3A_217 = vector.broadcast %mul3A_216 : f32 to vector<256xf32>
    %mul3A_218 = arith.mulf %reduce_max3A_215, %mul3A_217 : vector<256xf32>
    %add3A_219 = arith.addf %mul3A_218, %get3A_196 : vector<256xf32>
    %max3A_220 = arith.constant 0.000000e+00 : f32
    %max3A_221 = vector.broadcast %max3A_220 : f32 to vector<256xf32>
    %max3A_222 = arith.maximumf %add3A_219, %max3A_221 : vector<256xf32>
    %swap3A_223 = arith.constant 1 : index
    %swap3A_224 = arith.constant 2 : index
    %swap3A_225 = arith.constant 0 : index
    %swap3A_226 = vector.load %arg6[%swap3A_223, %swap3A_224, %swap3A_225] : memref<4x3x256xf32, #tpu.memory_space<vmem>>, vector<1x1x256xf32>
    %swap3A_227 = vector.shape_cast %swap3A_226 : vector<1x1x256xf32> to vector<256xf32>
    %swap3A_228 = vector.shape_cast %max3A_222 : vector<256xf32> to vector<1x1x256xf32>
    tpu.vector_store %arg6[%swap3A_223, %swap3A_224, %swap3A_225], %swap3A_228 {strides = array<i32>} : memref<4x3x256xf32, #tpu.memory_space<vmem>>, vector<1x1x256xf32>,
    %slice3A_229 = vector.extract_strided_slice %dot_general3A_192 {offsets = [2048, 0], sizes = [1022, 256], strides = [1, 1]} : vector<4096x256xf32> to vector<1022x256xf32>
    %reduce_max3A_230 = arith.constant dense<0xFF800000> : vector<256xf32>
    %reduce_max3A_231 = vector.multi_reduction <maximumf>, %slice3A_229, %reduce_max3A_230 [0] : vector<1022x256xf32> to vector<256xf32>
    %mul3A_232 = arith.constant 1.562500e-02 : f32
    %mul3A_233 = vector.broadcast %mul3A_232 : f32 to vector<256xf32>
    %mul3A_234 = arith.mulf %reduce_max3A_231, %mul3A_233 : vector<256xf32>
    %add3A_235 = arith.addf %mul3A_234, %get3A_196 : vector<256xf32>
    %max3A_236 = arith.constant 0.000000e+00 : f32
    %max3A_237 = vector.broadcast %max3A_236 : f32 to vector<256xf32>
    %max3A_238 = arith.maximumf %add3A_235, %max3A_237 : vector<256xf32>
    %swap3A_239 = arith.constant 2 : index
    %swap3A_240 = arith.constant 2 : index
    %swap3A_241 = arith.constant 0 : index
    %swap3A_242 = vector.load %arg6[%swap3A_239, %swap3A_240, %swap3A_241] : memref<4x3x256xf32, #tpu.memory_space<vmem>>, vector<1x1x256xf32>
    %swap3A_243 = vector.shape_cast %swap3A_242 : vector<1x1x256xf32> to vector<256xf32>
    %swap3A_244 = vector.shape_cast %max3A_238 : vector<256xf32> to vector<1x1x256xf32>
    tpu.vector_store %arg6[%swap3A_239, %swap3A_240, %swap3A_241], %swap3A_244 {strides = array<i32>} : memref<4x3x256xf32, #tpu.memory_space<vmem>>, vector<1x1x256xf32>,
    %slice3A_245 = vector.extract_strided_slice %dot_general3A_192 {offsets = [3072, 0], sizes = [1022, 256], strides = [1, 1]} : vector<4096x256xf32> to vector<1022x256xf32>
    %reduce_max3A_246 = arith.constant dense<0xFF800000> : vector<256xf32>
    %reduce_max3A_247 = vector.multi_reduction <maximumf>, %slice3A_245, %reduce_max3A_246 [0] : vector<1022x256xf32> to vector<256xf32>
    %mul3A_248 = arith.constant 1.562500e-02 : f32
    %mul3A_249 = vector.broadcast %mul3A_248 : f32 to vector<256xf32>
    %mul3A_250 = arith.mulf %reduce_max3A_247, %mul3A_249 : vector<256xf32>
    %add3A_251 = arith.addf %mul3A_250, %get3A_196 : vector<256xf32>
    %max3A_252 = arith.constant 0.000000e+00 : f32
    %max3A_253 = vector.broadcast %max3A_252 : f32 to vector<256xf32>
    %max3A_254 = arith.maximumf %add3A_251, %max3A_253 : vector<256xf32>
    %swap3A_255 = arith.constant 3 : index
    %swap3A_256 = arith.constant 2 : index
    %swap3A_257 = arith.constant 0 : index
    %swap3A_258 = vector.load %arg6[%swap3A_255, %swap3A_256, %swap3A_257] : memref<4x3x256xf32, #tpu.memory_space<vmem>>, vector<1x1x256xf32>
    %swap3A_259 = vector.shape_cast %swap3A_258 : vector<1x1x256xf32> to vector<256xf32>
    %swap3A_260 = vector.shape_cast %max3A_254 : vector<256xf32> to vector<1x1x256xf32>
    tpu.vector_store %arg6[%swap3A_255, %swap3A_256, %swap3A_257], %swap3A_260 {strides = array<i32>} : memref<4x3x256xf32, #tpu.memory_space<vmem>>, vector<1x1x256xf32>,
    return
  }
  func.func @transform_0(%arg0: i32) -> (i32, i32, i32) {
    %c0_i32 = arith.constant 0 : i32
    %c0_i32_0 = arith.constant 0 : i32
    %c0_i32_1 = arith.constant 0 : i32
    return %arg0, %c0_i32, %c0_i32_0 : i32, i32, i32
  }
  func.func @transform_1(%arg0: i32) -> (i32, i32) {
    %c0_i32 = arith.constant 0 : i32
    %c0_i32_0 = arith.constant 0 : i32
    %c0_i32_1 = arith.constant 0 : i32
    return %c0_i32, %c0_i32_0 : i32, i32
  }
  func.func @transform_2(%arg0: i32) -> (i32, i32) {
    %c0_i32 = arith.constant 0 : i32
    %c0_i32_0 = arith.constant 0 : i32
    %c0_i32_1 = arith.constant 0 : i32
    return %c0_i32, %c0_i32_0 : i32, i32
  }
  func.func @transform_3(%arg0: i32) -> (i32, i32) {
    %c0_i32 = arith.constant 0 : i32
    %c0_i32_0 = arith.constant 0 : i32
    %c0_i32_1 = arith.constant 0 : i32
    return %c0_i32, %c0_i32_0 : i32, i32
  }
  func.func @transform_4(%arg0: i32) -> (i32, i32) {
    %c0_i32 = arith.constant 0 : i32
    %c0_i32_0 = arith.constant 0 : i32
    %c0_i32_1 = arith.constant 0 : i32
    return %c0_i32, %c0_i32_0 : i32, i32
  }
  func.func @transform_5(%arg0: i32) -> (i32, i32, i32) {
    %c0_i32 = arith.constant 0 : i32
    %c0_i32_0 = arith.constant 0 : i32
    %c0_i32_1 = arith.constant 0 : i32
    return %arg0, %c0_i32, %c0_i32_0 : i32, i32, i32
  }
}

module attributes {stable_mosaic.version = 14 : i64} {
  func.func @_conv_rec_body(%arg0: i32, %arg1: memref<4x1024x128xf32, #tpu.memory_space<vmem>>, %arg2: memref<640x256xf8E4M3FN, #tpu.memory_space<vmem>>, %arg3: memref<512x256xf8E4M3FN, #tpu.memory_space<vmem>>, %arg4: memref<384x256xf8E4M3FN, #tpu.memory_space<vmem>>, %arg5: memref<1x768xf32, #tpu.memory_space<vmem>>, %arg6: memref<12x3x256xf32, #tpu.memory_space<vmem>>, %arg7: memref<256x1024xbf16, #tpu.memory_space<vmem>>, %arg8: memref<256x1024xbf16, #tpu.memory_space<vmem>>, %arg9: memref<1x1024xf32, #tpu.memory_space<vmem>>, %arg10: memref<256x1024xbf16, #tpu.memory_space<vmem>>, %arg11: memref<1x1024xf32, #tpu.memory_space<vmem>>, %arg12: memref<512x20xbf16, #tpu.memory_space<vmem>>, %arg13: memref<1x20xf32, #tpu.memory_space<vmem>>, %arg14: memref<16x20xf32, #tpu.memory_space<vmem>>, %arg15: memref<4096x640xf8E4M3FN, #tpu.memory_space<vmem>>, %arg16: memref<4x3x256xf32, #tpu.memory_space<vmem>>) attributes {dimension_semantics = [#tpu.dimension_semantics<arbitrary>], iteration_bounds = array<i64: 1>, scalar_prefetch = 0 : i64, scratch_operands = 2 : i64, tpu.core_type = #tpu.core_type<tc>, window_params = [{transform_indices = @transform_0, window_bounds = array<i64: 4, 1024, 128>}, {pipeline_mode = #tpu.pipeline_mode<synchronous>, transform_indices = @transform_1, window_bounds = array<i64: 640, 256>}, {pipeline_mode = #tpu.pipeline_mode<synchronous>, transform_indices = @transform_2, window_bounds = array<i64: 512, 256>}, {pipeline_mode = #tpu.pipeline_mode<synchronous>, transform_indices = @transform_3, window_bounds = array<i64: 384, 256>}, {pipeline_mode = #tpu.pipeline_mode<synchronous>, transform_indices = @transform_4, window_bounds = array<i64: 1, 768>}, {pipeline_mode = #tpu.pipeline_mode<synchronous>, transform_indices = @transform_5, window_bounds = array<i64: 12, 3, 256>}, {pipeline_mode = #tpu.pipeline_mode<synchronous>, transform_indices = @transform_6, window_bounds = array<i64: 256, 1024>}, {pipeline_mode = #tpu.pipeline_mode<synchronous>, transform_indices = @transform_7, window_bounds = array<i64: 256, 1024>}, {pipeline_mode = #tpu.pipeline_mode<synchronous>, transform_indices = @transform_8, window_bounds = array<i64: 1, 1024>}, {pipeline_mode = #tpu.pipeline_mode<synchronous>, transform_indices = @transform_9, window_bounds = array<i64: 256, 1024>}, {pipeline_mode = #tpu.pipeline_mode<synchronous>, transform_indices = @transform_10, window_bounds = array<i64: 1, 1024>}, {pipeline_mode = #tpu.pipeline_mode<synchronous>, transform_indices = @transform_11, window_bounds = array<i64: 512, 20>}, {pipeline_mode = #tpu.pipeline_mode<synchronous>, transform_indices = @transform_12, window_bounds = array<i64: 1, 20>}, {pipeline_mode = #tpu.pipeline_mode<synchronous>, transform_indices = @transform_13, window_bounds = array<i64: 16, 20>}]} {
    %get3A = arith.constant 0 : index
    %get3A_0 = arith.constant 0 : index
    %get3A_1 = arith.constant 0 : index
    %get3A_2 = vector.load %arg1[%get3A, %get3A_0, %get3A_1] : memref<4x1024x128xf32, #tpu.memory_space<vmem>>, vector<4x1024x128xf32>
    %reshape3A = vector.shape_cast %get3A_2 : vector<4x1024x128xf32> to vector<4096x128xf32>
    %mul3A = arith.constant 8.000000e+00 : f32
    %mul3A_3 = vector.broadcast %mul3A : f32 to vector<4096x128xf32>
    %mul3A_4 = arith.mulf %reshape3A, %mul3A_3 : vector<4096x128xf32>
    %convert_element_type3A = arith.truncf %mul3A_4 : vector<4096x128xf32> to vector<4096x128xf8E4M3FN>
    %swap3A = arith.constant 0 : index
    %swap3A_5 = arith.constant 0 : index
    %swap3A_6 = vector.load %arg15[%swap3A, %swap3A_5] : memref<4096x640xf8E4M3FN, #tpu.memory_space<vmem>>, vector<4096x128xf8E4M3FN>
    tpu.vector_store %arg15[%swap3A, %swap3A_5], %convert_element_type3A {strides = array<i32>} : memref<4096x640xf8E4M3FN, #tpu.memory_space<vmem>>, vector<4096x128xf8E4M3FN>,
    %slice3A = vector.extract_strided_slice %convert_element_type3A {offsets = [1, 0], sizes = [4095, 128], strides = [1, 1]} : vector<4096x128xf8E4M3FN> to vector<4095x128xf8E4M3FN>
    %swap3A_7 = arith.constant 0 : index
    %swap3A_8 = arith.constant 128 : index
    %swap3A_9 = vector.load %arg15[%swap3A_7, %swap3A_8] : memref<4096x640xf8E4M3FN, #tpu.memory_space<vmem>>, vector<4095x128xf8E4M3FN>
    tpu.vector_store %arg15[%swap3A_7, %swap3A_8], %slice3A {strides = array<i32>} : memref<4096x640xf8E4M3FN, #tpu.memory_space<vmem>>, vector<4095x128xf8E4M3FN>,
    %broadcast_in_dim3A = arith.constant 0.000000e+00 : f8E4M3FN
    %broadcast_in_dim3A_10 = vector.broadcast %broadcast_in_dim3A : f8E4M3FN to vector<1x128xf8E4M3FN>
    %swap3A_11 = arith.constant 4095 : index
    %swap3A_12 = arith.constant 128 : index
    %swap3A_13 = vector.load %arg15[%swap3A_11, %swap3A_12] : memref<4096x640xf8E4M3FN, #tpu.memory_space<vmem>>, vector<1x128xf8E4M3FN>
    tpu.vector_store %arg15[%swap3A_11, %swap3A_12], %broadcast_in_dim3A_10 {strides = array<i32>} : memref<4096x640xf8E4M3FN, #tpu.memory_space<vmem>>, vector<1x128xf8E4M3FN>,
    %slice3A_14 = vector.extract_strided_slice %convert_element_type3A {offsets = [2, 0], sizes = [4094, 128], strides = [1, 1]} : vector<4096x128xf8E4M3FN> to vector<4094x128xf8E4M3FN>
    %swap3A_15 = arith.constant 0 : index
    %swap3A_16 = arith.constant 256 : index
    %swap3A_17 = vector.load %arg15[%swap3A_15, %swap3A_16] : memref<4096x640xf8E4M3FN, #tpu.memory_space<vmem>>, vector<4094x128xf8E4M3FN>
    tpu.vector_store %arg15[%swap3A_15, %swap3A_16], %slice3A_14 {strides = array<i32>} : memref<4096x640xf8E4M3FN, #tpu.memory_space<vmem>>, vector<4094x128xf8E4M3FN>,
    %broadcast_in_dim3A_18 = arith.constant 0.000000e+00 : f8E4M3FN
    %broadcast_in_dim3A_19 = vector.broadcast %broadcast_in_dim3A_18 : f8E4M3FN to vector<2x128xf8E4M3FN>
    %swap3A_20 = arith.constant 4094 : index
    %swap3A_21 = arith.constant 256 : index
    %swap3A_22 = vector.load %arg15[%swap3A_20, %swap3A_21] : memref<4096x640xf8E4M3FN, #tpu.memory_space<vmem>>, vector<2x128xf8E4M3FN>
    tpu.vector_store %arg15[%swap3A_20, %swap3A_21], %broadcast_in_dim3A_19 {strides = array<i32>} : memref<4096x640xf8E4M3FN, #tpu.memory_space<vmem>>, vector<2x128xf8E4M3FN>,
    %slice3A_23 = vector.extract_strided_slice %convert_element_type3A {offsets = [3, 0], sizes = [4093, 128], strides = [1, 1]} : vector<4096x128xf8E4M3FN> to vector<4093x128xf8E4M3FN>
    %swap3A_24 = arith.constant 0 : index
    %swap3A_25 = arith.constant 384 : index
    %swap3A_26 = vector.load %arg15[%swap3A_24, %swap3A_25] : memref<4096x640xf8E4M3FN, #tpu.memory_space<vmem>>, vector<4093x128xf8E4M3FN>
    tpu.vector_store %arg15[%swap3A_24, %swap3A_25], %slice3A_23 {strides = array<i32>} : memref<4096x640xf8E4M3FN, #tpu.memory_space<vmem>>, vector<4093x128xf8E4M3FN>,
    %broadcast_in_dim3A_27 = arith.constant 0.000000e+00 : f8E4M3FN
    %broadcast_in_dim3A_28 = vector.broadcast %broadcast_in_dim3A_27 : f8E4M3FN to vector<3x128xf8E4M3FN>
    %swap3A_29 = arith.constant 4093 : index
    %swap3A_30 = arith.constant 384 : index
    %swap3A_31 = vector.load %arg15[%swap3A_29, %swap3A_30] : memref<4096x640xf8E4M3FN, #tpu.memory_space<vmem>>, vector<3x128xf8E4M3FN>
    tpu.vector_store %arg15[%swap3A_29, %swap3A_30], %broadcast_in_dim3A_28 {strides = array<i32>} : memref<4096x640xf8E4M3FN, #tpu.memory_space<vmem>>, vector<3x128xf8E4M3FN>,
    %slice3A_32 = vector.extract_strided_slice %convert_element_type3A {offsets = [4, 0], sizes = [4092, 128], strides = [1, 1]} : vector<4096x128xf8E4M3FN> to vector<4092x128xf8E4M3FN>
    %swap3A_33 = arith.constant 0 : index
    %swap3A_34 = arith.constant 512 : index
    %swap3A_35 = vector.load %arg15[%swap3A_33, %swap3A_34] : memref<4096x640xf8E4M3FN, #tpu.memory_space<vmem>>, vector<4092x128xf8E4M3FN>
    tpu.vector_store %arg15[%swap3A_33, %swap3A_34], %slice3A_32 {strides = array<i32>} : memref<4096x640xf8E4M3FN, #tpu.memory_space<vmem>>, vector<4092x128xf8E4M3FN>,
    %broadcast_in_dim3A_36 = arith.constant 0.000000e+00 : f8E4M3FN
    %broadcast_in_dim3A_37 = vector.broadcast %broadcast_in_dim3A_36 : f8E4M3FN to vector<4x128xf8E4M3FN>
    %swap3A_38 = arith.constant 4092 : index
    %swap3A_39 = arith.constant 512 : index
    %swap3A_40 = vector.load %arg15[%swap3A_38, %swap3A_39] : memref<4096x640xf8E4M3FN, #tpu.memory_space<vmem>>, vector<4x128xf8E4M3FN>
    tpu.vector_store %arg15[%swap3A_38, %swap3A_39], %broadcast_in_dim3A_37 {strides = array<i32>} : memref<4096x640xf8E4M3FN, #tpu.memory_space<vmem>>, vector<4x128xf8E4M3FN>,
    %get3A_41 = arith.constant 0 : index
    %get3A_42 = arith.constant 0 : index
    %get3A_43 = vector.load %arg15[%get3A_41, %get3A_42] : memref<4096x640xf8E4M3FN, #tpu.memory_space<vmem>>, vector<4096x640xf8E4M3FN>
    %get3A_44 = arith.constant 0 : index
    %get3A_45 = arith.constant 0 : index
    %get3A_46 = vector.load %arg2[%get3A_44, %get3A_45] : memref<640x256xf8E4M3FN, #tpu.memory_space<vmem>>, vector<640x256xf8E4M3FN>
    %dot_general3A = arith.constant dense<0.000000e+00> : vector<4096x256xf32>
    %dot_general3A_47 = tpu.matmul %get3A_43, %get3A_46, %dot_general3A {dimension_numbers = #tpu.dot_dimension_numbers<[1], [0], [0], [1], [0, 0, 1, 1], [], []>, transpose_lhs_hint = false} : vector<4096x640xf8E4M3FN>, vector<640x256xf8E4M3FN>, vector<4096x256xf32> -> vector<4096x256xf32>
    %get3A_48 = arith.constant 0 : index
    %get3A_49 = arith.constant 0 : index
    %get3A_50 = vector.load %arg5[%get3A_48, %get3A_49] : memref<1x768xf32, #tpu.memory_space<vmem>>, vector<1x256xf32>
    %get3A_51 = vector.shape_cast %get3A_50 : vector<1x256xf32> to vector<256xf32>
    %slice3A_52 = vector.extract_strided_slice %dot_general3A_47 {offsets = [0, 0], sizes = [1020, 256], strides = [1, 1]} : vector<4096x256xf32> to vector<1020x256xf32>
    %reduce_max3A = arith.constant dense<0xFF800000> : vector<256xf32>
    %reduce_max3A_53 = vector.multi_reduction <maximumf>, %slice3A_52, %reduce_max3A [0] : vector<1020x256xf32> to vector<256xf32>
    %mul3A_54 = arith.constant 1.562500e-02 : f32
    %mul3A_55 = vector.broadcast %mul3A_54 : f32 to vector<256xf32>
    %mul3A_56 = arith.mulf %reduce_max3A_53, %mul3A_55 : vector<256xf32>
    %add3A = arith.addf %mul3A_56, %get3A_51 : vector<256xf32>
    %max3A = arith.constant 0.000000e+00 : f32
    %max3A_57 = vector.broadcast %max3A : f32 to vector<256xf32>
    %max3A_58 = arith.maximumf %add3A, %max3A_57 : vector<256xf32>
    %mul3A_59 = arith.constant 4 : i32
    %mul3A_60 = arith.muli %arg0, %mul3A_59 : i32
    %add3A_61 = arith.constant 0 : i32
    %add3A_62 = arith.addi %mul3A_60, %add3A_61 : i32
    %swap3A_63 = arith.index_cast %add3A_62 : i32 to index
    %swap3A_64 = arith.constant 0 : index
    %swap3A_65 = arith.constant 0 : index
    %swap3A_66 = vector.load %arg16[%swap3A_63, %swap3A_64, %swap3A_65] : memref<4x3x256xf32, #tpu.memory_space<vmem>>, vector<1x1x256xf32>
    %swap3A_67 = vector.shape_cast %swap3A_66 : vector<1x1x256xf32> to vector<256xf32>
    %swap3A_68 = vector.shape_cast %max3A_58 : vector<256xf32> to vector<1x1x256xf32>
    tpu.vector_store %arg16[%swap3A_63, %swap3A_64, %swap3A_65], %swap3A_68 {strides = array<i32>} : memref<4x3x256xf32, #tpu.memory_space<vmem>>, vector<1x1x256xf32>,
    %slice3A_69 = vector.extract_strided_slice %dot_general3A_47 {offsets = [1024, 0], sizes = [1020, 256], strides = [1, 1]} : vector<4096x256xf32> to vector<1020x256xf32>
    %reduce_max3A_70 = arith.constant dense<0xFF800000> : vector<256xf32>
    %reduce_max3A_71 = vector.multi_reduction <maximumf>, %slice3A_69, %reduce_max3A_70 [0] : vector<1020x256xf32> to vector<256xf32>
    %mul3A_72 = arith.constant 1.562500e-02 : f32
    %mul3A_73 = vector.broadcast %mul3A_72 : f32 to vector<256xf32>
    %mul3A_74 = arith.mulf %reduce_max3A_71, %mul3A_73 : vector<256xf32>
    %add3A_75 = arith.addf %mul3A_74, %get3A_51 : vector<256xf32>
    %max3A_76 = arith.constant 0.000000e+00 : f32
    %max3A_77 = vector.broadcast %max3A_76 : f32 to vector<256xf32>
    %max3A_78 = arith.maximumf %add3A_75, %max3A_77 : vector<256xf32>
    %mul3A_79 = arith.constant 4 : i32
    %mul3A_80 = arith.muli %arg0, %mul3A_79 : i32
    %add3A_81 = arith.constant 1 : i32
    %add3A_82 = arith.addi %mul3A_80, %add3A_81 : i32
    %swap3A_83 = arith.index_cast %add3A_82 : i32 to index
    %swap3A_84 = arith.constant 0 : index
    %swap3A_85 = arith.constant 0 : index
    %swap3A_86 = vector.load %arg16[%swap3A_83, %swap3A_84, %swap3A_85] : memref<4x3x256xf32, #tpu.memory_space<vmem>>, vector<1x1x256xf32>
    %swap3A_87 = vector.shape_cast %swap3A_86 : vector<1x1x256xf32> to vector<256xf32>
    %swap3A_88 = vector.shape_cast %max3A_78 : vector<256xf32> to vector<1x1x256xf32>
    tpu.vector_store %arg16[%swap3A_83, %swap3A_84, %swap3A_85], %swap3A_88 {strides = array<i32>} : memref<4x3x256xf32, #tpu.memory_space<vmem>>, vector<1x1x256xf32>,
    %slice3A_89 = vector.extract_strided_slice %dot_general3A_47 {offsets = [2048, 0], sizes = [1020, 256], strides = [1, 1]} : vector<4096x256xf32> to vector<1020x256xf32>
    %reduce_max3A_90 = arith.constant dense<0xFF800000> : vector<256xf32>
    %reduce_max3A_91 = vector.multi_reduction <maximumf>, %slice3A_89, %reduce_max3A_90 [0] : vector<1020x256xf32> to vector<256xf32>
    %mul3A_92 = arith.constant 1.562500e-02 : f32
    %mul3A_93 = vector.broadcast %mul3A_92 : f32 to vector<256xf32>
    %mul3A_94 = arith.mulf %reduce_max3A_91, %mul3A_93 : vector<256xf32>
    %add3A_95 = arith.addf %mul3A_94, %get3A_51 : vector<256xf32>
    %max3A_96 = arith.constant 0.000000e+00 : f32
    %max3A_97 = vector.broadcast %max3A_96 : f32 to vector<256xf32>
    %max3A_98 = arith.maximumf %add3A_95, %max3A_97 : vector<256xf32>
    %mul3A_99 = arith.constant 4 : i32
    %mul3A_100 = arith.muli %arg0, %mul3A_99 : i32
    %add3A_101 = arith.constant 2 : i32
    %add3A_102 = arith.addi %mul3A_100, %add3A_101 : i32
    %swap3A_103 = arith.index_cast %add3A_102 : i32 to index
    %swap3A_104 = arith.constant 0 : index
    %swap3A_105 = arith.constant 0 : index
    %swap3A_106 = vector.load %arg16[%swap3A_103, %swap3A_104, %swap3A_105] : memref<4x3x256xf32, #tpu.memory_space<vmem>>, vector<1x1x256xf32>
    %swap3A_107 = vector.shape_cast %swap3A_106 : vector<1x1x256xf32> to vector<256xf32>
    %swap3A_108 = vector.shape_cast %max3A_98 : vector<256xf32> to vector<1x1x256xf32>
    tpu.vector_store %arg16[%swap3A_103, %swap3A_104, %swap3A_105], %swap3A_108 {strides = array<i32>} : memref<4x3x256xf32, #tpu.memory_space<vmem>>, vector<1x1x256xf32>,
    %slice3A_109 = vector.extract_strided_slice %dot_general3A_47 {offsets = [3072, 0], sizes = [1020, 256], strides = [1, 1]} : vector<4096x256xf32> to vector<1020x256xf32>
    %reduce_max3A_110 = arith.constant dense<0xFF800000> : vector<256xf32>
    %reduce_max3A_111 = vector.multi_reduction <maximumf>, %slice3A_109, %reduce_max3A_110 [0] : vector<1020x256xf32> to vector<256xf32>
    %mul3A_112 = arith.constant 1.562500e-02 : f32
    %mul3A_113 = vector.broadcast %mul3A_112 : f32 to vector<256xf32>
    %mul3A_114 = arith.mulf %reduce_max3A_111, %mul3A_113 : vector<256xf32>
    %add3A_115 = arith.addf %mul3A_114, %get3A_51 : vector<256xf32>
    %max3A_116 = arith.constant 0.000000e+00 : f32
    %max3A_117 = vector.broadcast %max3A_116 : f32 to vector<256xf32>
    %max3A_118 = arith.maximumf %add3A_115, %max3A_117 : vector<256xf32>
    %mul3A_119 = arith.constant 4 : i32
    %mul3A_120 = arith.muli %arg0, %mul3A_119 : i32
    %add3A_121 = arith.constant 3 : i32
    %add3A_122 = arith.addi %mul3A_120, %add3A_121 : i32
    %swap3A_123 = arith.index_cast %add3A_122 : i32 to index
    %swap3A_124 = arith.constant 0 : index
    %swap3A_125 = arith.constant 0 : index
    %swap3A_126 = vector.load %arg16[%swap3A_123, %swap3A_124, %swap3A_125] : memref<4x3x256xf32, #tpu.memory_space<vmem>>, vector<1x1x256xf32>
    %swap3A_127 = vector.shape_cast %swap3A_126 : vector<1x1x256xf32> to vector<256xf32>
    %swap3A_128 = vector.shape_cast %max3A_118 : vector<256xf32> to vector<1x1x256xf32>
    tpu.vector_store %arg16[%swap3A_123, %swap3A_124, %swap3A_125], %swap3A_128 {strides = array<i32>} : memref<4x3x256xf32, #tpu.memory_space<vmem>>, vector<1x1x256xf32>,
    %slice3A_129 = vector.extract_strided_slice %get3A_43 {offsets = [0, 0], sizes = [4096, 512], strides = [1, 1]} : vector<4096x640xf8E4M3FN> to vector<4096x512xf8E4M3FN>
    %get3A_130 = arith.constant 0 : index
    %get3A_131 = arith.constant 0 : index
    %get3A_132 = vector.load %arg3[%get3A_130, %get3A_131] : memref<512x256xf8E4M3FN, #tpu.memory_space<vmem>>, vector<512x256xf8E4M3FN>
    %dot_general3A_133 = arith.constant dense<0.000000e+00> : vector<4096x256xf32>
    %dot_general3A_134 = tpu.matmul %slice3A_129, %get3A_132, %dot_general3A_133 {dimension_numbers = #tpu.dot_dimension_numbers<[1], [0], [0], [1], [0, 0, 1, 1], [], []>, transpose_lhs_hint = false} : vector<4096x512xf8E4M3FN>, vector<512x256xf8E4M3FN>, vector<4096x256xf32> -> vector<4096x256xf32>
    %get3A_135 = arith.constant 0 : index
    %get3A_136 = arith.constant 256 : index
    %get3A_137 = vector.load %arg5[%get3A_135, %get3A_136] : memref<1x768xf32, #tpu.memory_space<vmem>>, vector<1x256xf32>
    %get3A_138 = vector.shape_cast %get3A_137 : vector<1x256xf32> to vector<256xf32>
    %slice3A_139 = vector.extract_strided_slice %dot_general3A_134 {offsets = [0, 0], sizes = [1021, 256], strides = [1, 1]} : vector<4096x256xf32> to vector<1021x256xf32>
    %reduce_max3A_140 = arith.constant dense<0xFF800000> : vector<256xf32>
    %reduce_max3A_141 = vector.multi_reduction <maximumf>, %slice3A_139, %reduce_max3A_140 [0] : vector<1021x256xf32> to vector<256xf32>
    %mul3A_142 = arith.constant 1.562500e-02 : f32
    %mul3A_143 = vector.broadcast %mul3A_142 : f32 to vector<256xf32>
    %mul3A_144 = arith.mulf %reduce_max3A_141, %mul3A_143 : vector<256xf32>
    %add3A_145 = arith.addf %mul3A_144, %get3A_138 : vector<256xf32>
    %max3A_146 = arith.constant 0.000000e+00 : f32
    %max3A_147 = vector.broadcast %max3A_146 : f32 to vector<256xf32>
    %max3A_148 = arith.maximumf %add3A_145, %max3A_147 : vector<256xf32>
    %mul3A_149 = arith.constant 4 : i32
    %mul3A_150 = arith.muli %arg0, %mul3A_149 : i32
    %add3A_151 = arith.constant 0 : i32
    %add3A_152 = arith.addi %mul3A_150, %add3A_151 : i32
    %swap3A_153 = arith.index_cast %add3A_152 : i32 to index
    %swap3A_154 = arith.constant 1 : index
    %swap3A_155 = arith.constant 0 : index
    %swap3A_156 = vector.load %arg16[%swap3A_153, %swap3A_154, %swap3A_155] : memref<4x3x256xf32, #tpu.memory_space<vmem>>, vector<1x1x256xf32>
    %swap3A_157 = vector.shape_cast %swap3A_156 : vector<1x1x256xf32> to vector<256xf32>
    %swap3A_158 = vector.shape_cast %max3A_148 : vector<256xf32> to vector<1x1x256xf32>
    tpu.vector_store %arg16[%swap3A_153, %swap3A_154, %swap3A_155], %swap3A_158 {strides = array<i32>} : memref<4x3x256xf32, #tpu.memory_space<vmem>>, vector<1x1x256xf32>,
    %slice3A_159 = vector.extract_strided_slice %dot_general3A_134 {offsets = [1024, 0], sizes = [1021, 256], strides = [1, 1]} : vector<4096x256xf32> to vector<1021x256xf32>
    %reduce_max3A_160 = arith.constant dense<0xFF800000> : vector<256xf32>
    %reduce_max3A_161 = vector.multi_reduction <maximumf>, %slice3A_159, %reduce_max3A_160 [0] : vector<1021x256xf32> to vector<256xf32>
    %mul3A_162 = arith.constant 1.562500e-02 : f32
    %mul3A_163 = vector.broadcast %mul3A_162 : f32 to vector<256xf32>
    %mul3A_164 = arith.mulf %reduce_max3A_161, %mul3A_163 : vector<256xf32>
    %add3A_165 = arith.addf %mul3A_164, %get3A_138 : vector<256xf32>
    %max3A_166 = arith.constant 0.000000e+00 : f32
    %max3A_167 = vector.broadcast %max3A_166 : f32 to vector<256xf32>
    %max3A_168 = arith.maximumf %add3A_165, %max3A_167 : vector<256xf32>
    %mul3A_169 = arith.constant 4 : i32
    %mul3A_170 = arith.muli %arg0, %mul3A_169 : i32
    %add3A_171 = arith.constant 1 : i32
    %add3A_172 = arith.addi %mul3A_170, %add3A_171 : i32
    %swap3A_173 = arith.index_cast %add3A_172 : i32 to index
    %swap3A_174 = arith.constant 1 : index
    %swap3A_175 = arith.constant 0 : index
    %swap3A_176 = vector.load %arg16[%swap3A_173, %swap3A_174, %swap3A_175] : memref<4x3x256xf32, #tpu.memory_space<vmem>>, vector<1x1x256xf32>
    %swap3A_177 = vector.shape_cast %swap3A_176 : vector<1x1x256xf32> to vector<256xf32>
    %swap3A_178 = vector.shape_cast %max3A_168 : vector<256xf32> to vector<1x1x256xf32>
    tpu.vector_store %arg16[%swap3A_173, %swap3A_174, %swap3A_175], %swap3A_178 {strides = array<i32>} : memref<4x3x256xf32, #tpu.memory_space<vmem>>, vector<1x1x256xf32>,
    %slice3A_179 = vector.extract_strided_slice %dot_general3A_134 {offsets = [2048, 0], sizes = [1021, 256], strides = [1, 1]} : vector<4096x256xf32> to vector<1021x256xf32>
    %reduce_max3A_180 = arith.constant dense<0xFF800000> : vector<256xf32>
    %reduce_max3A_181 = vector.multi_reduction <maximumf>, %slice3A_179, %reduce_max3A_180 [0] : vector<1021x256xf32> to vector<256xf32>
    %mul3A_182 = arith.constant 1.562500e-02 : f32
    %mul3A_183 = vector.broadcast %mul3A_182 : f32 to vector<256xf32>
    %mul3A_184 = arith.mulf %reduce_max3A_181, %mul3A_183 : vector<256xf32>
    %add3A_185 = arith.addf %mul3A_184, %get3A_138 : vector<256xf32>
    %max3A_186 = arith.constant 0.000000e+00 : f32
    %max3A_187 = vector.broadcast %max3A_186 : f32 to vector<256xf32>
    %max3A_188 = arith.maximumf %add3A_185, %max3A_187 : vector<256xf32>
    %mul3A_189 = arith.constant 4 : i32
    %mul3A_190 = arith.muli %arg0, %mul3A_189 : i32
    %add3A_191 = arith.constant 2 : i32
    %add3A_192 = arith.addi %mul3A_190, %add3A_191 : i32
    %swap3A_193 = arith.index_cast %add3A_192 : i32 to index
    %swap3A_194 = arith.constant 1 : index
    %swap3A_195 = arith.constant 0 : index
    %swap3A_196 = vector.load %arg16[%swap3A_193, %swap3A_194, %swap3A_195] : memref<4x3x256xf32, #tpu.memory_space<vmem>>, vector<1x1x256xf32>
    %swap3A_197 = vector.shape_cast %swap3A_196 : vector<1x1x256xf32> to vector<256xf32>
    %swap3A_198 = vector.shape_cast %max3A_188 : vector<256xf32> to vector<1x1x256xf32>
    tpu.vector_store %arg16[%swap3A_193, %swap3A_194, %swap3A_195], %swap3A_198 {strides = array<i32>} : memref<4x3x256xf32, #tpu.memory_space<vmem>>, vector<1x1x256xf32>,
    %slice3A_199 = vector.extract_strided_slice %dot_general3A_134 {offsets = [3072, 0], sizes = [1021, 256], strides = [1, 1]} : vector<4096x256xf32> to vector<1021x256xf32>
    %reduce_max3A_200 = arith.constant dense<0xFF800000> : vector<256xf32>
    %reduce_max3A_201 = vector.multi_reduction <maximumf>, %slice3A_199, %reduce_max3A_200 [0] : vector<1021x256xf32> to vector<256xf32>
    %mul3A_202 = arith.constant 1.562500e-02 : f32
    %mul3A_203 = vector.broadcast %mul3A_202 : f32 to vector<256xf32>
    %mul3A_204 = arith.mulf %reduce_max3A_201, %mul3A_203 : vector<256xf32>
    %add3A_205 = arith.addf %mul3A_204, %get3A_138 : vector<256xf32>
    %max3A_206 = arith.constant 0.000000e+00 : f32
    %max3A_207 = vector.broadcast %max3A_206 : f32 to vector<256xf32>
    %max3A_208 = arith.maximumf %add3A_205, %max3A_207 : vector<256xf32>
    %mul3A_209 = arith.constant 4 : i32
    %mul3A_210 = arith.muli %arg0, %mul3A_209 : i32
    %add3A_211 = arith.constant 3 : i32
    %add3A_212 = arith.addi %mul3A_210, %add3A_211 : i32
    %swap3A_213 = arith.index_cast %add3A_212 : i32 to index
    %swap3A_214 = arith.constant 1 : index
    %swap3A_215 = arith.constant 0 : index
    %swap3A_216 = vector.load %arg16[%swap3A_213, %swap3A_214, %swap3A_215] : memref<4x3x256xf32, #tpu.memory_space<vmem>>, vector<1x1x256xf32>
    %swap3A_217 = vector.shape_cast %swap3A_216 : vector<1x1x256xf32> to vector<256xf32>
    %swap3A_218 = vector.shape_cast %max3A_208 : vector<256xf32> to vector<1x1x256xf32>
    tpu.vector_store %arg16[%swap3A_213, %swap3A_214, %swap3A_215], %swap3A_218 {strides = array<i32>} : memref<4x3x256xf32, #tpu.memory_space<vmem>>, vector<1x1x256xf32>,
    %slice3A_219 = vector.extract_strided_slice %get3A_43 {offsets = [0, 0], sizes = [4096, 384], strides = [1, 1]} : vector<4096x640xf8E4M3FN> to vector<4096x384xf8E4M3FN>
    %get3A_220 = arith.constant 0 : index
    %get3A_221 = arith.constant 0 : index
    %get3A_222 = vector.load %arg4[%get3A_220, %get3A_221] : memref<384x256xf8E4M3FN, #tpu.memory_space<vmem>>, vector<384x256xf8E4M3FN>
    %dot_general3A_223 = arith.constant dense<0.000000e+00> : vector<4096x256xf32>
    %dot_general3A_224 = tpu.matmul %slice3A_219, %get3A_222, %dot_general3A_223 {dimension_numbers = #tpu.dot_dimension_numbers<[1], [0], [0], [1], [0, 0, 1, 1], [], []>, transpose_lhs_hint = false} : vector<4096x384xf8E4M3FN>, vector<384x256xf8E4M3FN>, vector<4096x256xf32> -> vector<4096x256xf32>
    %get3A_225 = arith.constant 0 : index
    %get3A_226 = arith.constant 512 : index
    %get3A_227 = vector.load %arg5[%get3A_225, %get3A_226] : memref<1x768xf32, #tpu.memory_space<vmem>>, vector<1x256xf32>
    %get3A_228 = vector.shape_cast %get3A_227 : vector<1x256xf32> to vector<256xf32>
    %slice3A_229 = vector.extract_strided_slice %dot_general3A_224 {offsets = [0, 0], sizes = [1022, 256], strides = [1, 1]} : vector<4096x256xf32> to vector<1022x256xf32>
    %reduce_max3A_230 = arith.constant dense<0xFF800000> : vector<256xf32>
    %reduce_max3A_231 = vector.multi_reduction <maximumf>, %slice3A_229, %reduce_max3A_230 [0] : vector<1022x256xf32> to vector<256xf32>
    %mul3A_232 = arith.constant 1.562500e-02 : f32
    %mul3A_233 = vector.broadcast %mul3A_232 : f32 to vector<256xf32>
    %mul3A_234 = arith.mulf %reduce_max3A_231, %mul3A_233 : vector<256xf32>
    %add3A_235 = arith.addf %mul3A_234, %get3A_228 : vector<256xf32>
    %max3A_236 = arith.constant 0.000000e+00 : f32
    %max3A_237 = vector.broadcast %max3A_236 : f32 to vector<256xf32>
    %max3A_238 = arith.maximumf %add3A_235, %max3A_237 : vector<256xf32>
    %mul3A_239 = arith.constant 4 : i32
    %mul3A_240 = arith.muli %arg0, %mul3A_239 : i32
    %add3A_241 = arith.constant 0 : i32
    %add3A_242 = arith.addi %mul3A_240, %add3A_241 : i32
    %swap3A_243 = arith.index_cast %add3A_242 : i32 to index
    %swap3A_244 = arith.constant 2 : index
    %swap3A_245 = arith.constant 0 : index
    %swap3A_246 = vector.load %arg16[%swap3A_243, %swap3A_244, %swap3A_245] : memref<4x3x256xf32, #tpu.memory_space<vmem>>, vector<1x1x256xf32>
    %swap3A_247 = vector.shape_cast %swap3A_246 : vector<1x1x256xf32> to vector<256xf32>
    %swap3A_248 = vector.shape_cast %max3A_238 : vector<256xf32> to vector<1x1x256xf32>
    tpu.vector_store %arg16[%swap3A_243, %swap3A_244, %swap3A_245], %swap3A_248 {strides = array<i32>} : memref<4x3x256xf32, #tpu.memory_space<vmem>>, vector<1x1x256xf32>,
    %slice3A_249 = vector.extract_strided_slice %dot_general3A_224 {offsets = [1024, 0], sizes = [1022, 256], strides = [1, 1]} : vector<4096x256xf32> to vector<1022x256xf32>
    %reduce_max3A_250 = arith.constant dense<0xFF800000> : vector<256xf32>
    %reduce_max3A_251 = vector.multi_reduction <maximumf>, %slice3A_249, %reduce_max3A_250 [0] : vector<1022x256xf32> to vector<256xf32>
    %mul3A_252 = arith.constant 1.562500e-02 : f32
    %mul3A_253 = vector.broadcast %mul3A_252 : f32 to vector<256xf32>
    %mul3A_254 = arith.mulf %reduce_max3A_251, %mul3A_253 : vector<256xf32>
    %add3A_255 = arith.addf %mul3A_254, %get3A_228 : vector<256xf32>
    %max3A_256 = arith.constant 0.000000e+00 : f32
    %max3A_257 = vector.broadcast %max3A_256 : f32 to vector<256xf32>
    %max3A_258 = arith.maximumf %add3A_255, %max3A_257 : vector<256xf32>
    %mul3A_259 = arith.constant 4 : i32
    %mul3A_260 = arith.muli %arg0, %mul3A_259 : i32
    %add3A_261 = arith.constant 1 : i32
    %add3A_262 = arith.addi %mul3A_260, %add3A_261 : i32
    %swap3A_263 = arith.index_cast %add3A_262 : i32 to index
    %swap3A_264 = arith.constant 2 : index
    %swap3A_265 = arith.constant 0 : index
    %swap3A_266 = vector.load %arg16[%swap3A_263, %swap3A_264, %swap3A_265] : memref<4x3x256xf32, #tpu.memory_space<vmem>>, vector<1x1x256xf32>
    %swap3A_267 = vector.shape_cast %swap3A_266 : vector<1x1x256xf32> to vector<256xf32>
    %swap3A_268 = vector.shape_cast %max3A_258 : vector<256xf32> to vector<1x1x256xf32>
    tpu.vector_store %arg16[%swap3A_263, %swap3A_264, %swap3A_265], %swap3A_268 {strides = array<i32>} : memref<4x3x256xf32, #tpu.memory_space<vmem>>, vector<1x1x256xf32>,
    %slice3A_269 = vector.extract_strided_slice %dot_general3A_224 {offsets = [2048, 0], sizes = [1022, 256], strides = [1, 1]} : vector<4096x256xf32> to vector<1022x256xf32>
    %reduce_max3A_270 = arith.constant dense<0xFF800000> : vector<256xf32>
    %reduce_max3A_271 = vector.multi_reduction <maximumf>, %slice3A_269, %reduce_max3A_270 [0] : vector<1022x256xf32> to vector<256xf32>
    %mul3A_272 = arith.constant 1.562500e-02 : f32
    %mul3A_273 = vector.broadcast %mul3A_272 : f32 to vector<256xf32>
    %mul3A_274 = arith.mulf %reduce_max3A_271, %mul3A_273 : vector<256xf32>
    %add3A_275 = arith.addf %mul3A_274, %get3A_228 : vector<256xf32>
    %max3A_276 = arith.constant 0.000000e+00 : f32
    %max3A_277 = vector.broadcast %max3A_276 : f32 to vector<256xf32>
    %max3A_278 = arith.maximumf %add3A_275, %max3A_277 : vector<256xf32>
    %mul3A_279 = arith.constant 4 : i32
    %mul3A_280 = arith.muli %arg0, %mul3A_279 : i32
    %add3A_281 = arith.constant 2 : i32
    %add3A_282 = arith.addi %mul3A_280, %add3A_281 : i32
    %swap3A_283 = arith.index_cast %add3A_282 : i32 to index
    %swap3A_284 = arith.constant 2 : index
    %swap3A_285 = arith.constant 0 : index
    %swap3A_286 = vector.load %arg16[%swap3A_283, %swap3A_284, %swap3A_285] : memref<4x3x256xf32, #tpu.memory_space<vmem>>, vector<1x1x256xf32>
    %swap3A_287 = vector.shape_cast %swap3A_286 : vector<1x1x256xf32> to vector<256xf32>
    %swap3A_288 = vector.shape_cast %max3A_278 : vector<256xf32> to vector<1x1x256xf32>
    tpu.vector_store %arg16[%swap3A_283, %swap3A_284, %swap3A_285], %swap3A_288 {strides = array<i32>} : memref<4x3x256xf32, #tpu.memory_space<vmem>>, vector<1x1x256xf32>,
    %slice3A_289 = vector.extract_strided_slice %dot_general3A_224 {offsets = [3072, 0], sizes = [1022, 256], strides = [1, 1]} : vector<4096x256xf32> to vector<1022x256xf32>
    %reduce_max3A_290 = arith.constant dense<0xFF800000> : vector<256xf32>
    %reduce_max3A_291 = vector.multi_reduction <maximumf>, %slice3A_289, %reduce_max3A_290 [0] : vector<1022x256xf32> to vector<256xf32>
    %mul3A_292 = arith.constant 1.562500e-02 : f32
    %mul3A_293 = vector.broadcast %mul3A_292 : f32 to vector<256xf32>
    %mul3A_294 = arith.mulf %reduce_max3A_291, %mul3A_293 : vector<256xf32>
    %add3A_295 = arith.addf %mul3A_294, %get3A_228 : vector<256xf32>
    %max3A_296 = arith.constant 0.000000e+00 : f32
    %max3A_297 = vector.broadcast %max3A_296 : f32 to vector<256xf32>
    %max3A_298 = arith.maximumf %add3A_295, %max3A_297 : vector<256xf32>
    %mul3A_299 = arith.constant 4 : i32
    %mul3A_300 = arith.muli %arg0, %mul3A_299 : i32
    %add3A_301 = arith.constant 3 : i32
    %add3A_302 = arith.addi %mul3A_300, %add3A_301 : i32
    %swap3A_303 = arith.index_cast %add3A_302 : i32 to index
    %swap3A_304 = arith.constant 2 : index
    %swap3A_305 = arith.constant 0 : index
    %swap3A_306 = vector.load %arg16[%swap3A_303, %swap3A_304, %swap3A_305] : memref<4x3x256xf32, #tpu.memory_space<vmem>>, vector<1x1x256xf32>
    %swap3A_307 = vector.shape_cast %swap3A_306 : vector<1x1x256xf32> to vector<256xf32>
    %swap3A_308 = vector.shape_cast %max3A_298 : vector<256xf32> to vector<1x1x256xf32>
    tpu.vector_store %arg16[%swap3A_303, %swap3A_304, %swap3A_305], %swap3A_308 {strides = array<i32>} : memref<4x3x256xf32, #tpu.memory_space<vmem>>, vector<1x1x256xf32>,
    %eq3A = arith.constant 0 : i32
    %eq3A_309 = arith.cmpi eq, %arg0, %eq3A : i32
    %convert_element_type3A_310 = arith.extui %eq3A_309 : i1 to i32
    %cond3A = arith.constant 0 : i32
    %cond3A_311 = arith.cmpi ne, %convert_element_type3A_310, %cond3A : i32
    scf.if %cond3A_311 {
      %broadcast_in_dim3A_312 = arith.constant 0.000000e+00 : f32
      %broadcast_in_dim3A_313 = vector.broadcast %broadcast_in_dim3A_312 : f32 to vector<16x256xf32>
      %broadcast_in_dim3A_314 = arith.constant 0.000000e+00 : f32
      %broadcast_in_dim3A_315 = vector.broadcast %broadcast_in_dim3A_314 : f32 to vector<16x256xf32>
      %get3A_316 = arith.constant 0 : index
      %get3A_317 = arith.constant 0 : index
      %get3A_318 = arith.constant 0 : index
      %get3A_319 = vector.load %arg6[%get3A_316, %get3A_317, %get3A_318] : memref<12x3x256xf32, #tpu.memory_space<vmem>>, vector<12x1x256xf32>
      %get3A_320 = vector.shape_cast %get3A_319 : vector<12x1x256xf32> to vector<12x256xf32>
      %get3A_321 = arith.constant 0 : index
      %get3A_322 = arith.constant 0 : index
      %get3A_323 = arith.constant 0 : index
      %get3A_324 = vector.load %arg16[%get3A_321, %get3A_322, %get3A_323] : memref<4x3x256xf32, #tpu.memory_space<vmem>>, vector<4x1x256xf32>
      %get3A_325 = vector.shape_cast %get3A_324 : vector<4x1x256xf32> to vector<4x256xf32>
      %concatenate3A = tpu.concatenate %get3A_320, %get3A_325 in 0 : vector<12x256xf32>, vector<4x256xf32> -> vector<16x256xf32>
      %convert_element_type3A_326 = arith.truncf %concatenate3A : vector<16x256xf32> to vector<16x256xbf16>
      %get3A_327 = arith.constant 0 : index
      %get3A_328 = arith.constant 0 : index
      %get3A_329 = vector.load %arg7[%get3A_327, %get3A_328] : memref<256x1024xbf16, #tpu.memory_space<vmem>>, vector<256x1024xbf16>
      %dot_general3A_330 = arith.constant dense<0.000000e+00> : vector<16x1024xf32>
      %dot_general3A_331 = tpu.matmul %convert_element_type3A_326, %get3A_329, %dot_general3A_330 {dimension_numbers = #tpu.dot_dimension_numbers<[1], [0], [0], [1], [0, 0, 1, 1], [], []>, transpose_lhs_hint = false} : vector<16x256xbf16>, vector<256x1024xbf16>, vector<16x1024xf32> -> vector<16x1024xf32>
      %convert_element_type3A_332 = arith.truncf %broadcast_in_dim3A_313 : vector<16x256xf32> to vector<16x256xbf16>
      %get3A_333 = arith.constant 0 : index
      %get3A_334 = arith.constant 0 : index
      %get3A_335 = vector.load %arg8[%get3A_333, %get3A_334] : memref<256x1024xbf16, #tpu.memory_space<vmem>>, vector<256x1024xbf16>
      %dot_general3A_336 = arith.constant dense<0.000000e+00> : vector<16x1024xf32>
      %dot_general3A_337 = tpu.matmul %convert_element_type3A_332, %get3A_335, %dot_general3A_336 {dimension_numbers = #tpu.dot_dimension_numbers<[1], [0], [0], [1], [0, 0, 1, 1], [], []>, transpose_lhs_hint = false} : vector<16x256xbf16>, vector<256x1024xbf16>, vector<16x1024xf32> -> vector<16x1024xf32>
      %add3A_338 = arith.addf %dot_general3A_331, %dot_general3A_337 : vector<16x1024xf32>
      %get3A_339 = arith.constant 0 : index
      %get3A_340 = arith.constant 0 : index
      %get3A_341 = vector.load %arg9[%get3A_339, %get3A_340] : memref<1x1024xf32, #tpu.memory_space<vmem>>, vector<1x1024xf32>
      %get3A_342 = vector.shape_cast %get3A_341 : vector<1x1024xf32> to vector<1024xf32>
      %broadcast_in_dim3A_343 = vector.shape_cast %get3A_342 : vector<1024xf32> to vector<1x1024xf32>
      %add3A_344 = vector.broadcast %broadcast_in_dim3A_343 : vector<1x1024xf32> to vector<16x1024xf32>
      %add3A_345 = arith.addf %add3A_338, %add3A_344 : vector<16x1024xf32>
      %slice3A_346 = vector.extract_strided_slice %add3A_345 {offsets = [0, 0], sizes = [16, 256], strides = [1, 1]} : vector<16x1024xf32> to vector<16x256xf32>
      %slice3A_347 = vector.extract_strided_slice %add3A_345 {offsets = [0, 256], sizes = [16, 256], strides = [1, 1]} : vector<16x1024xf32> to vector<16x256xf32>
      %slice3A_348 = vector.extract_strided_slice %add3A_345 {offsets = [0, 512], sizes = [16, 256], strides = [1, 1]} : vector<16x1024xf32> to vector<16x256xf32>
      %slice3A_349 = vector.extract_strided_slice %add3A_345 {offsets = [0, 768], sizes = [16, 256], strides = [1, 1]} : vector<16x1024xf32> to vector<16x256xf32>
      %logistic3A = arith.negf %slice3A_347 : vector<16x256xf32>
      %logistic3A_350 = math.exp %logistic3A : vector<16x256xf32>
      %logistic3A_351 = arith.constant 1.000000e+00 : f32
      %logistic3A_352 = vector.broadcast %logistic3A_351 : f32 to vector<16x256xf32>
      %logistic3A_353 = arith.addf %logistic3A_352, %logistic3A_350 : vector<16x256xf32>
      %logistic3A_354 = arith.divf %logistic3A_352, %logistic3A_353 : vector<16x256xf32>
      %mul3A_355 = arith.mulf %logistic3A_354, %broadcast_in_dim3A_315 : vector<16x256xf32>
      %logistic3A_356 = arith.negf %slice3A_346 : vector<16x256xf32>
      %logistic3A_357 = math.exp %logistic3A_356 : vector<16x256xf32>
      %logistic3A_358 = arith.constant 1.000000e+00 : f32
      %logistic3A_359 = vector.broadcast %logistic3A_358 : f32 to vector<16x256xf32>
      %logistic3A_360 = arith.addf %logistic3A_359, %logistic3A_357 : vector<16x256xf32>
      %logistic3A_361 = arith.divf %logistic3A_359, %logistic3A_360 : vector<16x256xf32>
      %tanh3A = math.tanh %slice3A_348 : vector<16x256xf32>
      %mul3A_362 = arith.mulf %logistic3A_361, %tanh3A : vector<16x256xf32>
      %add3A_363 = arith.addf %mul3A_355, %mul3A_362 : vector<16x256xf32>
      %logistic3A_364 = arith.negf %slice3A_349 : vector<16x256xf32>
      %logistic3A_365 = math.exp %logistic3A_364 : vector<16x256xf32>
      %logistic3A_366 = arith.constant 1.000000e+00 : f32
      %logistic3A_367 = vector.broadcast %logistic3A_366 : f32 to vector<16x256xf32>
      %logistic3A_368 = arith.addf %logistic3A_367, %logistic3A_365 : vector<16x256xf32>
      %logistic3A_369 = arith.divf %logistic3A_367, %logistic3A_368 : vector<16x256xf32>
      %tanh3A_370 = math.tanh %add3A_363 : vector<16x256xf32>
      %mul3A_371 = arith.mulf %logistic3A_369, %tanh3A_370 : vector<16x256xf32>
      %get3A_372 = arith.constant 0 : index
      %get3A_373 = arith.constant 1 : index
      %get3A_374 = arith.constant 0 : index
      %get3A_375 = vector.load %arg6[%get3A_372, %get3A_373, %get3A_374] : memref<12x3x256xf32, #tpu.memory_space<vmem>>, vector<12x1x256xf32>
      %get3A_376 = vector.shape_cast %get3A_375 : vector<12x1x256xf32> to vector<12x256xf32>
      %get3A_377 = arith.constant 0 : index
      %get3A_378 = arith.constant 1 : index
      %get3A_379 = arith.constant 0 : index
      %get3A_380 = vector.load %arg16[%get3A_377, %get3A_378, %get3A_379] : memref<4x3x256xf32, #tpu.memory_space<vmem>>, vector<4x1x256xf32>
      %get3A_381 = vector.shape_cast %get3A_380 : vector<4x1x256xf32> to vector<4x256xf32>
      %concatenate3A_382 = tpu.concatenate %get3A_376, %get3A_381 in 0 : vector<12x256xf32>, vector<4x256xf32> -> vector<16x256xf32>
      %convert_element_type3A_383 = arith.truncf %concatenate3A_382 : vector<16x256xf32> to vector<16x256xbf16>
      %get3A_384 = arith.constant 0 : index
      %get3A_385 = arith.constant 0 : index
      %get3A_386 = vector.load %arg7[%get3A_384, %get3A_385] : memref<256x1024xbf16, #tpu.memory_space<vmem>>, vector<256x1024xbf16>
      %dot_general3A_387 = arith.constant dense<0.000000e+00> : vector<16x1024xf32>
      %dot_general3A_388 = tpu.matmul %convert_element_type3A_383, %get3A_386, %dot_general3A_387 {dimension_numbers = #tpu.dot_dimension_numbers<[1], [0], [0], [1], [0, 0, 1, 1], [], []>, transpose_lhs_hint = false} : vector<16x256xbf16>, vector<256x1024xbf16>, vector<16x1024xf32> -> vector<16x1024xf32>
      %convert_element_type3A_389 = arith.truncf %mul3A_371 : vector<16x256xf32> to vector<16x256xbf16>
      %get3A_390 = arith.constant 0 : index
      %get3A_391 = arith.constant 0 : index
      %get3A_392 = vector.load %arg8[%get3A_390, %get3A_391] : memref<256x1024xbf16, #tpu.memory_space<vmem>>, vector<256x1024xbf16>
      %dot_general3A_393 = arith.constant dense<0.000000e+00> : vector<16x1024xf32>
      %dot_general3A_394 = tpu.matmul %convert_element_type3A_389, %get3A_392, %dot_general3A_393 {dimension_numbers = #tpu.dot_dimension_numbers<[1], [0], [0], [1], [0, 0, 1, 1], [], []>, transpose_lhs_hint = false} : vector<16x256xbf16>, vector<256x1024xbf16>, vector<16x1024xf32> -> vector<16x1024xf32>
      %add3A_395 = arith.addf %dot_general3A_388, %dot_general3A_394 : vector<16x1024xf32>
      %get3A_396 = arith.constant 0 : index
      %get3A_397 = arith.constant 0 : index
      %get3A_398 = vector.load %arg9[%get3A_396, %get3A_397] : memref<1x1024xf32, #tpu.memory_space<vmem>>, vector<1x1024xf32>
      %get3A_399 = vector.shape_cast %get3A_398 : vector<1x1024xf32> to vector<1024xf32>
      %broadcast_in_dim3A_400 = vector.shape_cast %get3A_399 : vector<1024xf32> to vector<1x1024xf32>
      %add3A_401 = vector.broadcast %broadcast_in_dim3A_400 : vector<1x1024xf32> to vector<16x1024xf32>
      %add3A_402 = arith.addf %add3A_395, %add3A_401 : vector<16x1024xf32>
      %slice3A_403 = vector.extract_strided_slice %add3A_402 {offsets = [0, 0], sizes = [16, 256], strides = [1, 1]} : vector<16x1024xf32> to vector<16x256xf32>
      %slice3A_404 = vector.extract_strided_slice %add3A_402 {offsets = [0, 256], sizes = [16, 256], strides = [1, 1]} : vector<16x1024xf32> to vector<16x256xf32>
      %slice3A_405 = vector.extract_strided_slice %add3A_402 {offsets = [0, 512], sizes = [16, 256], strides = [1, 1]} : vector<16x1024xf32> to vector<16x256xf32>
      %slice3A_406 = vector.extract_strided_slice %add3A_402 {offsets = [0, 768], sizes = [16, 256], strides = [1, 1]} : vector<16x1024xf32> to vector<16x256xf32>
      %logistic3A_407 = arith.negf %slice3A_404 : vector<16x256xf32>
      %logistic3A_408 = math.exp %logistic3A_407 : vector<16x256xf32>
      %logistic3A_409 = arith.constant 1.000000e+00 : f32
      %logistic3A_410 = vector.broadcast %logistic3A_409 : f32 to vector<16x256xf32>
      %logistic3A_411 = arith.addf %logistic3A_410, %logistic3A_408 : vector<16x256xf32>
      %logistic3A_412 = arith.divf %logistic3A_410, %logistic3A_411 : vector<16x256xf32>
      %mul3A_413 = arith.mulf %logistic3A_412, %add3A_363 : vector<16x256xf32>
      %logistic3A_414 = arith.negf %slice3A_403 : vector<16x256xf32>
      %logistic3A_415 = math.exp %logistic3A_414 : vector<16x256xf32>
      %logistic3A_416 = arith.constant 1.000000e+00 : f32
      %logistic3A_417 = vector.broadcast %logistic3A_416 : f32 to vector<16x256xf32>
      %logistic3A_418 = arith.addf %logistic3A_417, %logistic3A_415 : vector<16x256xf32>
      %logistic3A_419 = arith.divf %logistic3A_417, %logistic3A_418 : vector<16x256xf32>
      %tanh3A_420 = math.tanh %slice3A_405 : vector<16x256xf32>
      %mul3A_421 = arith.mulf %logistic3A_419, %tanh3A_420 : vector<16x256xf32>
      %add3A_422 = arith.addf %mul3A_413, %mul3A_421 : vector<16x256xf32>
      %logistic3A_423 = arith.negf %slice3A_406 : vector<16x256xf32>
      %logistic3A_424 = math.exp %logistic3A_423 : vector<16x256xf32>
      %logistic3A_425 = arith.constant 1.000000e+00 : f32
      %logistic3A_426 = vector.broadcast %logistic3A_425 : f32 to vector<16x256xf32>
      %logistic3A_427 = arith.addf %logistic3A_426, %logistic3A_424 : vector<16x256xf32>
      %logistic3A_428 = arith.divf %logistic3A_426, %logistic3A_427 : vector<16x256xf32>
      %tanh3A_429 = math.tanh %add3A_422 : vector<16x256xf32>
      %mul3A_430 = arith.mulf %logistic3A_428, %tanh3A_429 : vector<16x256xf32>
      %get3A_431 = arith.constant 0 : index
      %get3A_432 = arith.constant 2 : index
      %get3A_433 = arith.constant 0 : index
      %get3A_434 = vector.load %arg6[%get3A_431, %get3A_432, %get3A_433] : memref<12x3x256xf32, #tpu.memory_space<vmem>>, vector<12x1x256xf32>
      %get3A_435 = vector.shape_cast %get3A_434 : vector<12x1x256xf32> to vector<12x256xf32>
      %get3A_436 = arith.constant 0 : index
      %get3A_437 = arith.constant 2 : index
      %get3A_438 = arith.constant 0 : index
      %get3A_439 = vector.load %arg16[%get3A_436, %get3A_437, %get3A_438] : memref<4x3x256xf32, #tpu.memory_space<vmem>>, vector<4x1x256xf32>
      %get3A_440 = vector.shape_cast %get3A_439 : vector<4x1x256xf32> to vector<4x256xf32>
      %concatenate3A_441 = tpu.concatenate %get3A_435, %get3A_440 in 0 : vector<12x256xf32>, vector<4x256xf32> -> vector<16x256xf32>
      %convert_element_type3A_442 = arith.truncf %concatenate3A_441 : vector<16x256xf32> to vector<16x256xbf16>
      %get3A_443 = arith.constant 0 : index
      %get3A_444 = arith.constant 0 : index
      %get3A_445 = vector.load %arg7[%get3A_443, %get3A_444] : memref<256x1024xbf16, #tpu.memory_space<vmem>>, vector<256x1024xbf16>
      %dot_general3A_446 = arith.constant dense<0.000000e+00> : vector<16x1024xf32>
      %dot_general3A_447 = tpu.matmul %convert_element_type3A_442, %get3A_445, %dot_general3A_446 {dimension_numbers = #tpu.dot_dimension_numbers<[1], [0], [0], [1], [0, 0, 1, 1], [], []>, transpose_lhs_hint = false} : vector<16x256xbf16>, vector<256x1024xbf16>, vector<16x1024xf32> -> vector<16x1024xf32>
      %convert_element_type3A_448 = arith.truncf %mul3A_430 : vector<16x256xf32> to vector<16x256xbf16>
      %get3A_449 = arith.constant 0 : index
      %get3A_450 = arith.constant 0 : index
      %get3A_451 = vector.load %arg8[%get3A_449, %get3A_450] : memref<256x1024xbf16, #tpu.memory_space<vmem>>, vector<256x1024xbf16>
      %dot_general3A_452 = arith.constant dense<0.000000e+00> : vector<16x1024xf32>
      %dot_general3A_453 = tpu.matmul %convert_element_type3A_448, %get3A_451, %dot_general3A_452 {dimension_numbers = #tpu.dot_dimension_numbers<[1], [0], [0], [1], [0, 0, 1, 1], [], []>, transpose_lhs_hint = false} : vector<16x256xbf16>, vector<256x1024xbf16>, vector<16x1024xf32> -> vector<16x1024xf32>
      %add3A_454 = arith.addf %dot_general3A_447, %dot_general3A_453 : vector<16x1024xf32>
      %get3A_455 = arith.constant 0 : index
      %get3A_456 = arith.constant 0 : index
      %get3A_457 = vector.load %arg9[%get3A_455, %get3A_456] : memref<1x1024xf32, #tpu.memory_space<vmem>>, vector<1x1024xf32>
      %get3A_458 = vector.shape_cast %get3A_457 : vector<1x1024xf32> to vector<1024xf32>
      %broadcast_in_dim3A_459 = vector.shape_cast %get3A_458 : vector<1024xf32> to vector<1x1024xf32>
      %add3A_460 = vector.broadcast %broadcast_in_dim3A_459 : vector<1x1024xf32> to vector<16x1024xf32>
      %add3A_461 = arith.addf %add3A_454, %add3A_460 : vector<16x1024xf32>
      %slice3A_462 = vector.extract_strided_slice %add3A_461 {offsets = [0, 0], sizes = [16, 256], strides = [1, 1]} : vector<16x1024xf32> to vector<16x256xf32>
      %slice3A_463 = vector.extract_strided_slice %add3A_461 {offsets = [0, 256], sizes = [16, 256], strides = [1, 1]} : vector<16x1024xf32> to vector<16x256xf32>
      %slice3A_464 = vector.extract_strided_slice %add3A_461 {offsets = [0, 512], sizes = [16, 256], strides = [1, 1]} : vector<16x1024xf32> to vector<16x256xf32>
      %slice3A_465 = vector.extract_strided_slice %add3A_461 {offsets = [0, 768], sizes = [16, 256], strides = [1, 1]} : vector<16x1024xf32> to vector<16x256xf32>
      %logistic3A_466 = arith.negf %slice3A_463 : vector<16x256xf32>
      %logistic3A_467 = math.exp %logistic3A_466 : vector<16x256xf32>
      %logistic3A_468 = arith.constant 1.000000e+00 : f32
      %logistic3A_469 = vector.broadcast %logistic3A_468 : f32 to vector<16x256xf32>
      %logistic3A_470 = arith.addf %logistic3A_469, %logistic3A_467 : vector<16x256xf32>
      %logistic3A_471 = arith.divf %logistic3A_469, %logistic3A_470 : vector<16x256xf32>
      %mul3A_472 = arith.mulf %logistic3A_471, %add3A_422 : vector<16x256xf32>
      %logistic3A_473 = arith.negf %slice3A_462 : vector<16x256xf32>
      %logistic3A_474 = math.exp %logistic3A_473 : vector<16x256xf32>
      %logistic3A_475 = arith.constant 1.000000e+00 : f32
      %logistic3A_476 = vector.broadcast %logistic3A_475 : f32 to vector<16x256xf32>
      %logistic3A_477 = arith.addf %logistic3A_476, %logistic3A_474 : vector<16x256xf32>
      %logistic3A_478 = arith.divf %logistic3A_476, %logistic3A_477 : vector<16x256xf32>
      %tanh3A_479 = math.tanh %slice3A_464 : vector<16x256xf32>
      %mul3A_480 = arith.mulf %logistic3A_478, %tanh3A_479 : vector<16x256xf32>
      %add3A_481 = arith.addf %mul3A_472, %mul3A_480 : vector<16x256xf32>
      %logistic3A_482 = arith.negf %slice3A_465 : vector<16x256xf32>
      %logistic3A_483 = math.exp %logistic3A_482 : vector<16x256xf32>
      %logistic3A_484 = arith.constant 1.000000e+00 : f32
      %logistic3A_485 = vector.broadcast %logistic3A_484 : f32 to vector<16x256xf32>
      %logistic3A_486 = arith.addf %logistic3A_485, %logistic3A_483 : vector<16x256xf32>
      %logistic3A_487 = arith.divf %logistic3A_485, %logistic3A_486 : vector<16x256xf32>
      %tanh3A_488 = math.tanh %add3A_481 : vector<16x256xf32>
      %mul3A_489 = arith.mulf %logistic3A_487, %tanh3A_488 : vector<16x256xf32>
      %get3A_490 = arith.constant 0 : index
      %get3A_491 = arith.constant 2 : index
      %get3A_492 = arith.constant 0 : index
      %get3A_493 = vector.load %arg6[%get3A_490, %get3A_491, %get3A_492] : memref<12x3x256xf32, #tpu.memory_space<vmem>>, vector<12x1x256xf32>
      %get3A_494 = vector.shape_cast %get3A_493 : vector<12x1x256xf32> to vector<12x256xf32>
      %get3A_495 = arith.constant 0 : index
      %get3A_496 = arith.constant 2 : index
      %get3A_497 = arith.constant 0 : index
      %get3A_498 = vector.load %arg16[%get3A_495, %get3A_496, %get3A_497] : memref<4x3x256xf32, #tpu.memory_space<vmem>>, vector<4x1x256xf32>
      %get3A_499 = vector.shape_cast %get3A_498 : vector<4x1x256xf32> to vector<4x256xf32>
      %concatenate3A_500 = tpu.concatenate %get3A_494, %get3A_499 in 0 : vector<12x256xf32>, vector<4x256xf32> -> vector<16x256xf32>
      %convert_element_type3A_501 = arith.truncf %concatenate3A_500 : vector<16x256xf32> to vector<16x256xbf16>
      %get3A_502 = arith.constant 0 : index
      %get3A_503 = arith.constant 0 : index
      %get3A_504 = vector.load %arg10[%get3A_502, %get3A_503] : memref<256x1024xbf16, #tpu.memory_space<vmem>>, vector<256x1024xbf16>
      %dot_general3A_505 = arith.constant dense<0.000000e+00> : vector<16x1024xf32>
      %dot_general3A_506 = tpu.matmul %convert_element_type3A_501, %get3A_504, %dot_general3A_505 {dimension_numbers = #tpu.dot_dimension_numbers<[1], [0], [0], [1], [0, 0, 1, 1], [], []>, transpose_lhs_hint = false} : vector<16x256xbf16>, vector<256x1024xbf16>, vector<16x1024xf32> -> vector<16x1024xf32>
      %get3A_507 = arith.constant 0 : index
      %get3A_508 = arith.constant 0 : index
      %get3A_509 = vector.load %arg11[%get3A_507, %get3A_508] : memref<1x1024xf32, #tpu.memory_space<vmem>>, vector<1x1024xf32>
      %get3A_510 = vector.shape_cast %get3A_509 : vector<1x1024xf32> to vector<1024xf32>
      %broadcast_in_dim3A_511 = vector.shape_cast %get3A_510 : vector<1024xf32> to vector<1x1024xf32>
      %add3A_512 = vector.broadcast %broadcast_in_dim3A_511 : vector<1x1024xf32> to vector<16x1024xf32>
      %add3A_513 = arith.addf %dot_general3A_506, %add3A_512 : vector<16x1024xf32>
      %slice3A_514 = vector.extract_strided_slice %add3A_513 {offsets = [0, 0], sizes = [16, 256], strides = [1, 1]} : vector<16x1024xf32> to vector<16x256xf32>
      %slice3A_515 = vector.extract_strided_slice %add3A_513 {offsets = [0, 512], sizes = [16, 256], strides = [1, 1]} : vector<16x1024xf32> to vector<16x256xf32>
      %slice3A_516 = vector.extract_strided_slice %add3A_513 {offsets = [0, 768], sizes = [16, 256], strides = [1, 1]} : vector<16x1024xf32> to vector<16x256xf32>
      %logistic3A_517 = arith.negf %slice3A_514 : vector<16x256xf32>
      %logistic3A_518 = math.exp %logistic3A_517 : vector<16x256xf32>
      %logistic3A_519 = arith.constant 1.000000e+00 : f32
      %logistic3A_520 = vector.broadcast %logistic3A_519 : f32 to vector<16x256xf32>
      %logistic3A_521 = arith.addf %logistic3A_520, %logistic3A_518 : vector<16x256xf32>
      %logistic3A_522 = arith.divf %logistic3A_520, %logistic3A_521 : vector<16x256xf32>
      %tanh3A_523 = math.tanh %slice3A_515 : vector<16x256xf32>
      %mul3A_524 = arith.mulf %logistic3A_522, %tanh3A_523 : vector<16x256xf32>
      %logistic3A_525 = arith.negf %slice3A_516 : vector<16x256xf32>
      %logistic3A_526 = math.exp %logistic3A_525 : vector<16x256xf32>
      %logistic3A_527 = arith.constant 1.000000e+00 : f32
      %logistic3A_528 = vector.broadcast %logistic3A_527 : f32 to vector<16x256xf32>
      %logistic3A_529 = arith.addf %logistic3A_528, %logistic3A_526 : vector<16x256xf32>
      %logistic3A_530 = arith.divf %logistic3A_528, %logistic3A_529 : vector<16x256xf32>
      %tanh3A_531 = math.tanh %mul3A_524 : vector<16x256xf32>
      %mul3A_532 = arith.mulf %logistic3A_530, %tanh3A_531 : vector<16x256xf32>
      %concatenate3A_533 = tpu.concatenate %mul3A_489, %mul3A_532 in 1 : vector<16x256xf32>, vector<16x256xf32> -> vector<16x512xf32>
      %convert_element_type3A_534 = arith.truncf %concatenate3A_533 : vector<16x512xf32> to vector<16x512xbf16>
      %get3A_535 = arith.constant 0 : index
      %get3A_536 = arith.constant 0 : index
      %get3A_537 = vector.load %arg12[%get3A_535, %get3A_536] : memref<512x20xbf16, #tpu.memory_space<vmem>>, vector<512x20xbf16>
      %dot_general3A_538 = arith.constant dense<0.000000e+00> : vector<16x20xf32>
      %dot_general3A_539 = tpu.matmul %convert_element_type3A_534, %get3A_537, %dot_general3A_538 {dimension_numbers = #tpu.dot_dimension_numbers<[1], [0], [0], [1], [0, 0, 1, 1], [], []>, transpose_lhs_hint = false} : vector<16x512xbf16>, vector<512x20xbf16>, vector<16x20xf32> -> vector<16x20xf32>
      %get3A_540 = arith.constant 0 : index
      %get3A_541 = arith.constant 0 : index
      %get3A_542 = vector.load %arg13[%get3A_540, %get3A_541] : memref<1x20xf32, #tpu.memory_space<vmem>>, vector<1x20xf32>
      %get3A_543 = vector.shape_cast %get3A_542 : vector<1x20xf32> to vector<20xf32>
      %broadcast_in_dim3A_544 = vector.shape_cast %get3A_543 : vector<20xf32> to vector<1x20xf32>
      %add3A_545 = vector.broadcast %broadcast_in_dim3A_544 : vector<1x20xf32> to vector<16x20xf32>
      %add3A_546 = arith.addf %dot_general3A_539, %add3A_545 : vector<16x20xf32>
      %reduce_max3A_547 = arith.constant dense<0xFF800000> : vector<16xf32>
      %reduce_max3A_548 = vector.multi_reduction <maximumf>, %add3A_546, %reduce_max3A_547 [1] : vector<16x20xf32> to vector<16xf32>
      %broadcast_in_dim3A_549 = vector.shape_cast %reduce_max3A_548 : vector<16xf32> to vector<16x1xf32>
      %sub3A = vector.broadcast %broadcast_in_dim3A_549 : vector<16x1xf32> to vector<16x20xf32>
      %sub3A_550 = arith.subf %add3A_546, %sub3A : vector<16x20xf32>
      %exp3A = math.exp %sub3A_550 : vector<16x20xf32>
      %reduce_sum3A = arith.constant dense<0.000000e+00> : vector<16xf32>
      %reduce_sum3A_551 = vector.multi_reduction <add>, %exp3A, %reduce_sum3A [1] : vector<16x20xf32> to vector<16xf32>
      %broadcast_in_dim3A_552 = vector.shape_cast %reduce_sum3A_551 : vector<16xf32> to vector<16x1xf32>
      %log3A = math.log %broadcast_in_dim3A_552 : vector<16x1xf32>
      %sub3A_553 = vector.broadcast %log3A : vector<16x1xf32> to vector<16x20xf32>
      %sub3A_554 = arith.subf %sub3A_550, %sub3A_553 : vector<16x20xf32>
      %swap3A_555 = arith.constant 0 : index
      %swap3A_556 = arith.constant 0 : index
      %swap3A_557 = vector.load %arg14[%swap3A_555, %swap3A_556] : memref<16x20xf32, #tpu.memory_space<vmem>>, vector<16x20xf32>
      tpu.vector_store %arg14[%swap3A_555, %swap3A_556], %sub3A_554 {strides = array<i32>} : memref<16x20xf32, #tpu.memory_space<vmem>>, vector<16x20xf32>,
    } else {
    }
    return
  }
  func.func @transform_0(%arg0: i32) -> (i32, i32, i32) {
    %c0_i32 = arith.constant 0 : i32
    %c0_i32_0 = arith.constant 0 : i32
    %c0_i32_1 = arith.constant 0 : i32
    return %arg0, %c0_i32, %c0_i32_0 : i32, i32, i32
  }
  func.func @transform_1(%arg0: i32) -> (i32, i32) {
    %c0_i32 = arith.constant 0 : i32
    %c0_i32_0 = arith.constant 0 : i32
    %c0_i32_1 = arith.constant 0 : i32
    return %c0_i32, %c0_i32_0 : i32, i32
  }
  func.func @transform_2(%arg0: i32) -> (i32, i32) {
    %c0_i32 = arith.constant 0 : i32
    %c0_i32_0 = arith.constant 0 : i32
    %c0_i32_1 = arith.constant 0 : i32
    return %c0_i32, %c0_i32_0 : i32, i32
  }
  func.func @transform_3(%arg0: i32) -> (i32, i32) {
    %c0_i32 = arith.constant 0 : i32
    %c0_i32_0 = arith.constant 0 : i32
    %c0_i32_1 = arith.constant 0 : i32
    return %c0_i32, %c0_i32_0 : i32, i32
  }
  func.func @transform_4(%arg0: i32) -> (i32, i32) {
    %c0_i32 = arith.constant 0 : i32
    %c0_i32_0 = arith.constant 0 : i32
    %c0_i32_1 = arith.constant 0 : i32
    return %c0_i32, %c0_i32_0 : i32, i32
  }
  func.func @transform_5(%arg0: i32) -> (i32, i32, i32) {
    %c0_i32 = arith.constant 0 : i32
    %c0_i32_0 = arith.constant 0 : i32
    %c0_i32_1 = arith.constant 0 : i32
    %c0_i32_2 = arith.constant 0 : i32
    return %c0_i32, %c0_i32_0, %c0_i32_1 : i32, i32, i32
  }
  func.func @transform_6(%arg0: i32) -> (i32, i32) {
    %c0_i32 = arith.constant 0 : i32
    %c0_i32_0 = arith.constant 0 : i32
    %c0_i32_1 = arith.constant 0 : i32
    return %c0_i32, %c0_i32_0 : i32, i32
  }
  func.func @transform_7(%arg0: i32) -> (i32, i32) {
    %c0_i32 = arith.constant 0 : i32
    %c0_i32_0 = arith.constant 0 : i32
    %c0_i32_1 = arith.constant 0 : i32
    return %c0_i32, %c0_i32_0 : i32, i32
  }
  func.func @transform_8(%arg0: i32) -> (i32, i32) {
    %c0_i32 = arith.constant 0 : i32
    %c0_i32_0 = arith.constant 0 : i32
    %c0_i32_1 = arith.constant 0 : i32
    return %c0_i32, %c0_i32_0 : i32, i32
  }
  func.func @transform_9(%arg0: i32) -> (i32, i32) {
    %c0_i32 = arith.constant 0 : i32
    %c0_i32_0 = arith.constant 0 : i32
    %c0_i32_1 = arith.constant 0 : i32
    return %c0_i32, %c0_i32_0 : i32, i32
  }
  func.func @transform_10(%arg0: i32) -> (i32, i32) {
    %c0_i32 = arith.constant 0 : i32
    %c0_i32_0 = arith.constant 0 : i32
    %c0_i32_1 = arith.constant 0 : i32
    return %c0_i32, %c0_i32_0 : i32, i32
  }
  func.func @transform_11(%arg0: i32) -> (i32, i32) {
    %c0_i32 = arith.constant 0 : i32
    %c0_i32_0 = arith.constant 0 : i32
    %c0_i32_1 = arith.constant 0 : i32
    return %c0_i32, %c0_i32_0 : i32, i32
  }
  func.func @transform_12(%arg0: i32) -> (i32, i32) {
    %c0_i32 = arith.constant 0 : i32
    %c0_i32_0 = arith.constant 0 : i32
    %c0_i32_1 = arith.constant 0 : i32
    return %c0_i32, %c0_i32_0 : i32, i32
  }
  func.func @transform_13(%arg0: i32) -> (i32, i32) {
    %c0_i32 = arith.constant 0 : i32
    %c0_i32_0 = arith.constant 0 : i32
    %c0_i32_1 = arith.constant 0 : i32
    return %c0_i32, %c0_i32_0 : i32, i32
  }
}

</mosaic_0001>

<sc_bundles>
// kernel: kernel.6.cloned.1.call-start
scs
__scs_entry_jumppad:
0x0: {  	(pc) =	sbr.rel $0x88, $3  }
0x1: {  	(tag) =	ssettag $0x0;
	lr =	simm.s32 $0x1  }
0x2: {  	[smem:$0x3F90] =	sst lr;
	_ =	strace $0xD0000000  }
0x3: {  	_ = 	snop  }
0x4: {  	_ = 	snop  }
0x5: {  	_ = 	snop  }
0x6: {  	_ = 	snop  }
0x7: {  	_ = 	snop  }
__scs_overlays_trampoline_lowered:
0x8: {  	[smem:$0x3F9F] =	sst s0  }
0x9: {  	[smem:$0x3FA0] =	sst s1  }
0xa: {  	[smem:$0x3FA1] =	sst s2  }
0xb: {  	[smem:$0x3FA2] =	sst s3  }
0xc: {  	[smem:$0x3FA3] =	sst s4  }
0xd: {  	[smem:$0x3FA4] =	sst s5  }
0xe: {  	[smem:$0x3FA5] =	sst s6  }
0xf: {  	[smem:$0x3FA6] =	sst s7  }
0x10: {  	[smem:$0x3FA7] =	sst s8  }
0x11: {  	[smem:$0x3FA8] =	sst s9;
	s0 =	simm.s32 @!p0 $0x0  }
0x12: {  	s1 =	sld [smem:$0x3F8E];
	s0 =	simm.s32 @p0 $0x1  }
0x13: {  	[smem:$0x3FA9] =	sst s0;
	s0 =	simm.s32 @!p1 $0x0  }
0x14: {  	s2 =	sld [smem:$0x3F8D];
	s0 =	simm.s32 @p1 $0x1  }
0x15: {  	[smem:$0x3FAA] =	sst s0;
	s0 =	simm.s32 @!p2 $0x0  }
0x16: {  	s3 =	sld [smem:$0x3FDB];
	s0 =	simm.s32 @p2 $0x1  }
0x17: {  	s4 =	simm.s32 $0x1BF5;
	[smem:$0x3FAC] =	sst s0  }
0x18: {  	s0 =	sld [smem:$0x3F8F];
	_ =	swait.ge [sflag:s4], $0x0  }
0x19: {  	s7 =	sld [smem:$0x3F90]  }
0x1a: {  	s8 =	sadd.s32 $0xFFFFE003, lr  }
0x1b: {  	s9 =	sadd.s32 $0xFFFFFEF7, lr;
	s5 =	simm.s32 $0xFFFFFFFF;
	p2 =	slt.u32 s8, $0xFFFFF086  }
0x1c: {  	p1 =	slt.u32 s9, $0xF7A;
	s5 =	simm.s32 @!p2 $0x0  }
0x1d: {  	s5 =	simm.s32 @p1 $0x1;
	p0 =	seq.s32 s7, s2  }
0x1e: {  	s7 =	smul.u32 @!p0 $0xF7A, s2;
	p2 =	seq.s32 @!p0 s5, $0x0  }
0x1f: {  	s9 =	smul.u32 $0xF7A, s1;
	s8 =	simm.s32 @!p0 $0x1BF5;
	p2 =	por !p2, p0  }
0x20: {  	[sflag:s8] =	ssyncset.s32 @!p0 $0xFFFFF086;
	s6 =	sadd.s32 @!p0 s3, s7;
	s7 =	simm.s32 @!p0 $0x108  }
0x21: {  	s3 =	sadd.s32 s3, s9;
	s6 =	sadd.s32 @!p0 $0x88, s6;
	s7 =	simm.s32 @p2 $0x1082  }
0x22: {  	[simem:s7], [sflag:s8] =	dma.local @!p0 [hbm:s6], $0xF7A  }
0x23: {  	s9 =	sor.u32 $0xD0000000, s2;
	s6 =	simm.s32 $0x108;
	_ =	swait.ge @!p0 [sflag:s8], $0x0  }
0x24: {  	s3 =	sadd.s32 $0x88, s3;
	s6 =	simm.s32 @!p1 $0x1082;
	[sflag:s4] =	ssyncset.s32 $0xFFFFF086  }
0x25: {  	[simem:s6], [sflag:s4] =	dma.local [hbm:s3], $0xF7A  }
0x26: {  	[smem:$0x3F90] =	sst s1;
	(tag) =	ssettag s2;
	_ =	strace s9  }
0x27: {  	s1 =	sld [smem:$0x3FA0]  }
0x28: {  	s2 =	sld [smem:$0x3FA1]  }
0x29: {  	s4 =	sld [smem:$0x3FA3]  }
0x2a: {  	p0 =	seq.s32 s5, $0x0;
	s5 =	sld [smem:$0x3FA4]  }
0x2b: {  	s6 =	sld [smem:$0x3FA5]  }
0x2c: {  	s7 =	sld [smem:$0x3FA6]  }
0x2d: {  	s3 =	simm.s32 $0x108;
	s8 =	sld [smem:$0x3FA7]  }
0x2e: {  	s3 =	simm.s32 @!p0 $0x1082;
	s9 =	sld [smem:$0x3FA8]  }
0x2f: {  	lr =	sadd.s32 s0, s3;
	s0 =	sld [smem:$0x3F9F]  }
0x30: {  	s3 =	sld [smem:$0x3FA2]  }
0x31: {  	[smem:$0x3FAB] =	sst s10  }
0x32: {  	s10 =	sld [smem:$0x3FA9];
	_ =	sdelay $0x3  }
0x33: {  	p0 =	seq.s32 s10, $0x1;
	s10 =	sld [smem:$0x3FAB];
	_ =	sdelay $0x3  }
0x34: {  	[smem:$0x3FAB] =	sst s10  }
0x35: {  	s10 =	sld [smem:$0x3FAA];
	_ =	sdelay $0x3  }
0x36: {  	p1 =	seq.s32 s10, $0x1;
	s10 =	sld [smem:$0x3FAB];
	_ =	sdelay $0x3  }
0x37: {  	[smem:$0x3FAB] =	sst s10  }
0x38: {  	s10 =	sld [smem:$0x3FAC]  }
0x39: {  	_ = 	snop;
	(pc) =	sbr.ind lr, $3  }
0x3a: {  	_ = 	snop  }
0x3b: {  	_ = 	snop  }
0x3c: {  	p2 =	seq.s32 s10, $0x1;
	s10 =	sld [smem:$0x3FAB]  }
0x3d: {  	_ =	shalt  }
0x3e: {  	_ =	shalt  }
0x3f: {  	_ =	shalt  }
0x40: {  	_ =	shalt  }
0x41: {  	_ =	shalt  }
0x42: {  	_ =	shalt  }
0x43: {  	_ =	shalt  }
0x44: {  	_ =	shalt  }
0x45: {  	_ =	shalt  }
0x46: {  	_ =	shalt  }
0x47: {  	_ =	shalt  }
0x48: {  	_ =	shalt  }
0x49: {  	_ =	shalt  }
0x4a: {  	_ =	shalt  }
0x4b: {  	_ =	shalt  }
0x4c: {  	_ =	shalt  }
0x4d: {  	_ =	shalt  }
0x4e: {  	_ =	shalt  }
0x4f: {  	_ =	shalt  }
0x50: {  	_ =	shalt  }
0x51: {  	_ =	shalt  }
0x52: {  	_ =	shalt  }
0x53: {  	_ =	shalt  }
0x54: {  	_ =	shalt  }
0x55: {  	_ =	shalt  }
0x56: {  	_ =	shalt  }
0x57: {  	_ =	shalt  }
0x58: {  	_ =	shalt  }
0x59: {  	_ =	shalt  }
0x5a: {  	_ =	shalt  }
0x5b: {  	_ =	shalt  }
0x5c: {  	_ =	shalt  }
0x5d: {  	_ =	shalt  }
0x5e: {  	_ =	shalt  }
0x5f: {  	_ =	shalt  }
0x60: {  	_ =	shalt  }
0x61: {  	_ =	shalt  }
0x62: {  	_ =	shalt  }
0x63: {  	_ =	shalt  }
0x64: {  	_ =	shalt  }
0x65: {  	_ =	shalt  }
0x66: {  	_ =	shalt  }
0x67: {  	_ =	shalt  }
0x68: {  	_ =	shalt  }
0x69: {  	_ =	shalt  }
0x6a: {  	_ =	shalt  }
0x6b: {  	_ =	shalt  }
0x6c: {  	_ =	shalt  }
0x6d: {  	_ =	shalt  }
0x6e: {  	_ =	shalt  }
0x6f: {  	_ =	shalt  }
0x70: {  	_ =	shalt  }
0x71: {  	_ =	shalt  }
0x72: {  	_ =	shalt  }
0x73: {  	_ =	shalt  }
0x74: {  	_ =	shalt  }
0x75: {  	_ =	shalt  }
0x76: {  	_ =	shalt  }
0x77: {  	_ =	shalt  }
0x78: {  	_ =	shalt  }
0x79: {  	_ =	shalt  }
0x7a: {  	_ =	shalt  }
0x7b: {  	_ =	shalt  }
0x7c: {  	_ =	shalt  }
0x7d: {  	_ =	shalt  }
0x7e: {  	_ =	shalt  }
0x7f: {  	_ =	shalt  }
0x80: {  	_ =	shalt  }
0x81: {  	_ =	shalt  }
0x82: {  	_ =	shalt  }
0x83: {  	_ =	shalt  }
0x84: {  	_ =	shalt  }
0x85: {  	_ =	shalt  }
0x86: {  	_ =	shalt  }
0x87: {  	_ =	shalt  }
.Lfunc_end0:
.L_simem_size_0:
called_computation_lowered:
.L_overlay_start_0:
0x88: {  	s2 =	sld [smem:$0x3FD9]  }
0x89: {  	s3 =	sld [smem:$0x3FFE];
	_ =	sdelay $0x1  }
0x8a: {  	s1 =	srdreg.scid  }
0x8b: {  	s0 =	sand.u32 $0x1, s1  }
0x8c: {  	s17 =	sshll.u32 s0, $0xA;
	s2 =	sadd.s32 s3, s2  }
0x8d: {  	s2 =	sadd.s32 s2, s17  }
0x8e: {  	[smem:$0x3FB7] =	sst s2  }
0x8f: {  	_ = 	snop  }
0x90: {  	s2 =	sld [smem:$0x3FC8];
	(tm) =	ssettm $0x1  }
0x91: {  	s18 =	sld [smem:$0x3FFB];
	_ =	sdelay $0x3  }
0x92: {  	_ =	strace s18  }
0x93: {  	s3 =	sld [smem:$0x3FFC];
	_ =	sdelay $0x3  }
0x94: {  	_ =	strace s3  }
0x95: {  	s3 =	sld [smem:$0x3FFD];
	_ =	sdelay $0x3  }
0x96: {  	_ =	strace s3  }
0x97: {  	_ =	strace $0x8FFFFFFF  }
0x98: {  	s19 =	sld [smem:$0x3FDB];
	_ =	sdelay $0x1  }
0x99: {  	s4 =	simm.s32 $_scs_section_size  }
0x9a: {  	s5 =	simm.s32 $_size__tile_overlayer_lowered;
	s6 =	simm.s32 $_tile_overlayer_lowered  }
0x9b: {  	s22 =	simm.s32 $0x1BFF;
	s21 =	sshll.u32 s6, $0x1;
	s3 =	sadd.s32 s4, s19  }
0x9c: {  	s7 =	simm.s32 $0x0;
	s20 =	sshll.u32 s5, $0x1;
	s5 =	sadd.s32 s21, s3  }
0x9d: {  	[timem:s7], [sflag:s22] =	dma.local [hbm:s5], s20  }
0x9e: {  	_ =	swait.ge [sflag:s22], s20  }
0x9f: {  	s4 =	ssub.s32 $0x0, s20;
	[sflag:s22] =	ssyncset.done $0x0  }
0xa0: {  	[sflag:s22] =	ssyncadd.s32 s4;
	_ =	sdelay $0x1  }
0xa1: {  	s23 =	simm.s32 $0x1B8B  }
0xa2: {  	_ =	swait.ge [sflag:s23], $0x1  }
0xa3: {  	[sflag:s23] =	ssyncset.done $0x0  }
0xa4: {  	s25 =	simm.s32 $0x1B8E;
	s24 =	sld [smem:$0x3FFE];
	[sflag:s23] =	ssyncadd.s32 $0xFFFFFFFF  }
0xa5: {  	s26 =	simm.s32 $execute0_lowered;
	[smem:$0x3FD2] =	sst s25  }
0xa6: {  	s5 =	sshll.u32 s26, $0x1;
	_ =	strace $0x80000046;
	[dreg:$0x1] =	wrdreg $0xFFFFFFFF  }
0xa7: {  	s28 =	simm.s32 $_size_execute0_lowered;
	s3 =	sadd.s32 s3, s5;
	[dreg:$0x0] =	wrdreg $0x0  }
0xa8: {  	s5 =	sshll.u32 s28, $0x1;
	[dreg:$0x2] =	wrdreg s3  }
0xa9: {  	[dreg:$0x3] =	wrdreg s5  }
0xaa: {  	[dreg:$0x4] =	wrdreg $0xC0  }
0xab: {  	_ =	task [dreg:s7], $0x5FFFF  }
0xac: {  	[dreg:$0x1] =	wrdreg $0xFFFFFFFF  }
0xad: {  	[dreg:$0x0] =	wrdreg $0x60  }
0xae: {  	[dreg:$0x2] =	wrdreg s2  }
0xaf: {  	[dreg:$0x3] =	wrdreg s24  }
0xb0: {  	[dreg:$0x4] =	wrdreg $0x9  }
0xb1: {  	_ =	task.clear_ibuf [dreg:s7], $0x5FFFF;
	_ =	strace $0x90000046  }
0xb2: {  	s29 =	simm.s32 $0x9;
	_ =	strace $0x80000048  }
0xb3: {  	_ =	swait.ge [sflag:s29], $0x1  }
0xb4: {  	[sflag:s29] =	ssyncadd.s32 $0xFFFFFFFF  }
0xb5: {  	_ =	strace $0x90000048  }
0xb6: {  	_ =	sfence  }
0xb7: {  	s30 =	sld [smem:$0x0];
	_ =	sdelay $0x2  }
0xb8: {  	s31 =	sshll.u32 s1, $0xD;
	s1 =	sshrl.u32 s1, $0x2  }
0xb9: {  	s3 =	sand.u32 $0x4000, s31;
	s1 =	sadd.s32 s1, s30  }
0xba: {  	s0 =	sor.u32 s3, s0;
	s1 =	sshll.u32 s1, $0x11  }
0xbb: {  	s0 =	sor.u32 s1, s0  }
0xbc: {  	s0 =	sadd.s32 $0x8F2B, s0  }
0xbd: {  	[sflag:s0] =	ssyncadd.remote.s32 $0x1  }
0xbe: {  	_ =	sfence.sel $0xFFFF  }
0xbf: {  	[dreg:$0x0] =	wrdreg $0xFFFFFFFF;
	(pc) =	sbr.abs _section_cstart, $3  }
0xc0: {  	[dreg:$0x1] =	wrdreg $0xFFFFFFFF  }
0xc1: {  	_ =	task.clear_ibuf [dreg:s7], $0x2FFFF;
	_ =	strace $0x9FFFFFFF  }
0xc2: {  	(tm) =	ssettm $0x7FFFFFFF  }
0xc3: {  	_ =	shalt  }
tec
execute0_lowered:
.L_overlay_start_1:
0x0: {  	(tag) =	ssettag $0x1  }
0x1: {  	s1 =	srdreg.scid;
	s0 =	stileid.u32  }
0x2: {  	s2 =	rddreg [dreg:$0x0];
	s6 =	sand.u32 $0x1, s1;
	s30 =	sshll.u32 s0, $0x1  }
0x3: {  	s8 =	rddreg [dreg:$0x1];
	s7 =	sor.u32 s6, s30  }
0x4: {  	s3 =	simm.s32 $0x0;
	s1 =	rddreg [dreg:$0x2];
	s4 =	smul.u32 $0x30, s7  }
0x5: {  	[smem:$0x7FF] =	sst s3  }
0x6: {  	_ =	strace $0x80000047;
	s10 =	ssub.s32 $0x2, s6;
	s4 =	sadd.s32 s4, s8  }
0x7: {  	s6 =	simm.s32 $0x180;
	s5 =	sadd.s32 $0x2C00, s4;
	s4 =	simm.s32 $0x2  }
0x8: {  	[tilespmem:s3], [sflag:$0x2] =	stream.linear.gather [hbm4b:s5+s3], $0x180, $0x38;
	[tilespmem:$0xC180] =	vst v63  }
0x9: {  	s9 =	smul.u32 $0x1800, s7;
	s11 =	sshrl.u32 s10, $0x1;
	_ =	swait.ge [sflag:s4], $0x180  }
0xa: {  	s7 =	simm.s32 $0x1;
	s31 =	ssub.s32 s10, s11;
	[sflag:s4] =	ssyncset.done $0x0  }
0xb: {  	s8 =	sadd.s32 s9, s8;
	s9 =	smax.u32 s31, $0x1;
	[sflag:s4] =	ssyncadd.s32 $0xFFFFFE80  }
0xc: {  	[tilespmem:s6], [sflag:$0x1] =	stream.indirect.gather [hbm4b:s2+s6], $0x80, s3, s6, $0xb8;
	[tilespmem:$0xC180] =	vst v63  }
0xd: {  	p0 =	sne.s32 s9, $0x1;
	_ =	swait.ge [sflag:s7], $0xC000  }
.Ltmp0:
0xe: {  	[sflag:s7] =	ssyncset.done $0x0;
	(pc) =	sbr.rel @!p0 .LBB2_2-.Ltmp0, $4  }
0xf: {  	s8 =	sadd.s32 $0x3200, s8;
	[sflag:s7] =	ssyncadd.s32 $0xFFFF4000  }
0x10: {  	[hbm4b:s8+s3] =	stream.linear.scatter [tilespmem:s6], [sflag:$0x2], $0xC000, $0x38;
	[tilespmem:$0xC180] =	vst v63  }
0x11: {  	_ =	swait.ge [sflag:s4], $0xC000  }
0x12: {  	s9 =	sadd.s32 $0xFFFFFFFF, s9;
	[sflag:s4] =	ssyncset.done $0x0  }
.LBB2_1:
0x13: {  	p0 =	sne.s32 s9, $0x1;
	s9 =	sadd.s32 $0xFFFFFFFF, s9;
	[sflag:s4] =	ssyncadd.s32 $0xFFFF4000  }
0x14: {  	[tilespmem:s3], [sflag:$0x2] =	stream.linear.gather [hbm4b:s5+s3], $0x180, $0x38;
	[tilespmem:$0xC180] =	vst v63  }
0x15: {  	_ =	swait.ge [sflag:s4], $0x180  }
0x16: {  	[sflag:s4] =	ssyncset.done $0x0  }
0x17: {  	[sflag:s4] =	ssyncadd.s32 $0xFFFFFE80  }
0x18: {  	[tilespmem:s6], [sflag:$0x1] =	stream.indirect.gather [hbm4b:s2+s6], $0x80, s3, s6, $0xb8;
	[tilespmem:$0xC180] =	vst v63  }
0x19: {  	_ =	swait.ge [sflag:s7], $0xC000  }
.Ltmp1:
0x1a: {  	[sflag:s7] =	ssyncset.done $0x0;
	(pc) =	sbr.rel @p0 .LBB2_1-.Ltmp1, $4  }
0x1b: {  	[sflag:s7] =	ssyncadd.s32 $0xFFFF4000  }
0x1c: {  	[hbm4b:s8+s3] =	stream.linear.scatter [tilespmem:s6], [sflag:$0x2], $0xC000, $0x38;
	[tilespmem:$0xC180] =	vst v63  }
0x1d: {  	_ =	swait.ge [sflag:s4], $0xC000  }
0x1e: {  	[sflag:s4] =	ssyncset.done $0x0  }
.LBB2_2:
0x1f: {  	[sflag:s4] =	ssyncadd.s32 $0xFFFF4000  }
0x20: {  	_ =	sfence.sel $0x180000  }
0x21: {  	[bflag:$0x0] =	sbarrier.arrive $0xFFFF  }
0x22: {  	p0 =	sne.s32 s0, $0x0;
	_ =	strace $0x90000047  }
0x23: {  	s0 =	sadd.s32 @!p0 $0x100000, s1;
	[bflag:$0x2] =	sbarrier.arrive $0xFFFF  }
0x24: {  	[sflag:s0] =	ssyncadd.tile.s32 @!p0 $0x1;
	_ =	shalt  }
.Lfunc_end2:
_tile_overlayer_lowered:
.L_overlay_start_2:
0x25: {  	(tag) =	ssettag $0x2  }
0x26: {  	s0 =	rddreg [dreg:$0x0];
	s2 =	stileid.u32  }
0x27: {  	s1 =	rddreg [dreg:$0x1];
	p0 =	sne.s32 s2, $0x0  }
0x28: {  	s3 =	rddreg [dreg:$0x2];
	[bflag:$0x3] =	sbarrier.arrive $0xFFFF;
	s2 =	simm.s32 @!p0 $0x1C02  }
0x29: {  	[timem:s3], [sflag:s2] =	dma.local @!p0 [hbm:s0], s1  }
0x2a: {  	s0 =	simm.s32 @!p0 $0x2  }
0x2b: {  	_ =	swait.ge @!p0 [sflag:s0], s1  }
0x2c: {  	s1 =	ssub.s32 @!p0 $0x0, s1;
	[sflag:s0] =	ssyncset.done @!p0 $0x0  }
0x2d: {  	[sflag:s0] =	ssyncadd.s32 @!p0 s1  }
0x2e: {  	[bflag:$0x3] =	sbarrier.arrive $0xFFFF  }
0x2f: {  	_ =	shalt  }

// kernel: kernel.9.cloned.1.call-start
scs
__scs_entry_jumppad:
0x0: {  	(pc) =	sbr.rel $0x88, $3  }
0x1: {  	(tag) =	ssettag $0x0;
	lr =	simm.s32 $0x1  }
0x2: {  	[smem:$0x3F90] =	sst lr;
	_ =	strace $0xD0000000  }
0x3: {  	_ = 	snop  }
0x4: {  	_ = 	snop  }
0x5: {  	_ = 	snop  }
0x6: {  	_ = 	snop  }
0x7: {  	_ = 	snop  }
__scs_overlays_trampoline_lowered:
0x8: {  	[smem:$0x3F9F] =	sst s0  }
0x9: {  	[smem:$0x3FA0] =	sst s1  }
0xa: {  	[smem:$0x3FA1] =	sst s2  }
0xb: {  	[smem:$0x3FA2] =	sst s3  }
0xc: {  	[smem:$0x3FA3] =	sst s4  }
0xd: {  	[smem:$0x3FA4] =	sst s5  }
0xe: {  	[smem:$0x3FA5] =	sst s6  }
0xf: {  	[smem:$0x3FA6] =	sst s7  }
0x10: {  	[smem:$0x3FA7] =	sst s8  }
0x11: {  	[smem:$0x3FA8] =	sst s9;
	s0 =	simm.s32 @!p0 $0x0  }
0x12: {  	s1 =	sld [smem:$0x3F8E];
	s0 =	simm.s32 @p0 $0x1  }
0x13: {  	[smem:$0x3FA9] =	sst s0;
	s0 =	simm.s32 @!p1 $0x0  }
0x14: {  	s2 =	sld [smem:$0x3F8D];
	s0 =	simm.s32 @p1 $0x1  }
0x15: {  	[smem:$0x3FAA] =	sst s0;
	s0 =	simm.s32 @!p2 $0x0  }
0x16: {  	s3 =	sld [smem:$0x3FDB];
	s0 =	simm.s32 @p2 $0x1  }
0x17: {  	s4 =	simm.s32 $0x1BF5;
	[smem:$0x3FAC] =	sst s0  }
0x18: {  	s0 =	sld [smem:$0x3F8F];
	_ =	swait.ge [sflag:s4], $0x0  }
0x19: {  	s7 =	sld [smem:$0x3F90]  }
0x1a: {  	s8 =	sadd.s32 $0xFFFFE003, lr  }
0x1b: {  	s9 =	sadd.s32 $0xFFFFFEF7, lr;
	s5 =	simm.s32 $0xFFFFFFFF;
	p2 =	slt.u32 s8, $0xFFFFF086  }
0x1c: {  	p1 =	slt.u32 s9, $0xF7A;
	s5 =	simm.s32 @!p2 $0x0  }
0x1d: {  	s5 =	simm.s32 @p1 $0x1;
	p0 =	seq.s32 s7, s2  }
0x1e: {  	s7 =	smul.u32 @!p0 $0xF7A, s2;
	p2 =	seq.s32 @!p0 s5, $0x0  }
0x1f: {  	s9 =	smul.u32 $0xF7A, s1;
	s8 =	simm.s32 @!p0 $0x1BF5;
	p2 =	por !p2, p0  }
0x20: {  	[sflag:s8] =	ssyncset.s32 @!p0 $0xFFFFF086;
	s6 =	sadd.s32 @!p0 s3, s7;
	s7 =	simm.s32 @!p0 $0x108  }
0x21: {  	s3 =	sadd.s32 s3, s9;
	s6 =	sadd.s32 @!p0 $0x88, s6;
	s7 =	simm.s32 @p2 $0x1082  }
0x22: {  	[simem:s7], [sflag:s8] =	dma.local @!p0 [hbm:s6], $0xF7A  }
0x23: {  	s9 =	sor.u32 $0xD0000000, s2;
	s6 =	simm.s32 $0x108;
	_ =	swait.ge @!p0 [sflag:s8], $0x0  }
0x24: {  	s3 =	sadd.s32 $0x88, s3;
	s6 =	simm.s32 @!p1 $0x1082;
	[sflag:s4] =	ssyncset.s32 $0xFFFFF086  }
0x25: {  	[simem:s6], [sflag:s4] =	dma.local [hbm:s3], $0xF7A  }
0x26: {  	[smem:$0x3F90] =	sst s1;
	(tag) =	ssettag s2;
	_ =	strace s9  }
0x27: {  	s1 =	sld [smem:$0x3FA0]  }
0x28: {  	s2 =	sld [smem:$0x3FA1]  }
0x29: {  	s4 =	sld [smem:$0x3FA3]  }
0x2a: {  	p0 =	seq.s32 s5, $0x0;
	s5 =	sld [smem:$0x3FA4]  }
0x2b: {  	s6 =	sld [smem:$0x3FA5]  }
0x2c: {  	s7 =	sld [smem:$0x3FA6]  }
0x2d: {  	s3 =	simm.s32 $0x108;
	s8 =	sld [smem:$0x3FA7]  }
0x2e: {  	s3 =	simm.s32 @!p0 $0x1082;
	s9 =	sld [smem:$0x3FA8]  }
0x2f: {  	lr =	sadd.s32 s0, s3;
	s0 =	sld [smem:$0x3F9F]  }
0x30: {  	s3 =	sld [smem:$0x3FA2]  }
0x31: {  	[smem:$0x3FAB] =	sst s10  }
0x32: {  	s10 =	sld [smem:$0x3FA9];
	_ =	sdelay $0x3  }
0x33: {  	p0 =	seq.s32 s10, $0x1;
	s10 =	sld [smem:$0x3FAB];
	_ =	sdelay $0x3  }
0x34: {  	[smem:$0x3FAB] =	sst s10  }
0x35: {  	s10 =	sld [smem:$0x3FAA];
	_ =	sdelay $0x3  }
0x36: {  	p1 =	seq.s32 s10, $0x1;
	s10 =	sld [smem:$0x3FAB];
	_ =	sdelay $0x3  }
0x37: {  	[smem:$0x3FAB] =	sst s10  }
0x38: {  	s10 =	sld [smem:$0x3FAC]  }
0x39: {  	_ = 	snop;
	(pc) =	sbr.ind lr, $3  }
0x3a: {  	_ = 	snop  }
0x3b: {  	_ = 	snop  }
0x3c: {  	p2 =	seq.s32 s10, $0x1;
	s10 =	sld [smem:$0x3FAB]  }
0x3d: {  	_ =	shalt  }
0x3e: {  	_ =	shalt  }
0x3f: {  	_ =	shalt  }
0x40: {  	_ =	shalt  }
0x41: {  	_ =	shalt  }
0x42: {  	_ =	shalt  }
0x43: {  	_ =	shalt  }
0x44: {  	_ =	shalt  }
0x45: {  	_ =	shalt  }
0x46: {  	_ =	shalt  }
0x47: {  	_ =	shalt  }
0x48: {  	_ =	shalt  }
0x49: {  	_ =	shalt  }
0x4a: {  	_ =	shalt  }
0x4b: {  	_ =	shalt  }
0x4c: {  	_ =	shalt  }
0x4d: {  	_ =	shalt  }
0x4e: {  	_ =	shalt  }
0x4f: {  	_ =	shalt  }
0x50: {  	_ =	shalt  }
0x51: {  	_ =	shalt  }
0x52: {  	_ =	shalt  }
0x53: {  	_ =	shalt  }
0x54: {  	_ =	shalt  }
0x55: {  	_ =	shalt  }
0x56: {  	_ =	shalt  }
0x57: {  	_ =	shalt  }
0x58: {  	_ =	shalt  }
0x59: {  	_ =	shalt  }
0x5a: {  	_ =	shalt  }
0x5b: {  	_ =	shalt  }
0x5c: {  	_ =	shalt  }
0x5d: {  	_ =	shalt  }
0x5e: {  	_ =	shalt  }
0x5f: {  	_ =	shalt  }
0x60: {  	_ =	shalt  }
0x61: {  	_ =	shalt  }
0x62: {  	_ =	shalt  }
0x63: {  	_ =	shalt  }
0x64: {  	_ =	shalt  }
0x65: {  	_ =	shalt  }
0x66: {  	_ =	shalt  }
0x67: {  	_ =	shalt  }
0x68: {  	_ =	shalt  }
0x69: {  	_ =	shalt  }
0x6a: {  	_ =	shalt  }
0x6b: {  	_ =	shalt  }
0x6c: {  	_ =	shalt  }
0x6d: {  	_ =	shalt  }
0x6e: {  	_ =	shalt  }
0x6f: {  	_ =	shalt  }
0x70: {  	_ =	shalt  }
0x71: {  	_ =	shalt  }
0x72: {  	_ =	shalt  }
0x73: {  	_ =	shalt  }
0x74: {  	_ =	shalt  }
0x75: {  	_ =	shalt  }
0x76: {  	_ =	shalt  }
0x77: {  	_ =	shalt  }
0x78: {  	_ =	shalt  }
0x79: {  	_ =	shalt  }
0x7a: {  	_ =	shalt  }
0x7b: {  	_ =	shalt  }
0x7c: {  	_ =	shalt  }
0x7d: {  	_ =	shalt  }
0x7e: {  	_ =	shalt  }
0x7f: {  	_ =	shalt  }
0x80: {  	_ =	shalt  }
0x81: {  	_ =	shalt  }
0x82: {  	_ =	shalt  }
0x83: {  	_ =	shalt  }
0x84: {  	_ =	shalt  }
0x85: {  	_ =	shalt  }
0x86: {  	_ =	shalt  }
0x87: {  	_ =	shalt  }
.Lfunc_end0:
.L_simem_size_0:
called_computation.1_lowered:
.L_overlay_start_0:
0x88: {  	s2 =	sld [smem:$0x3FD9]  }
0x89: {  	s3 =	sld [smem:$0x3FFE];
	_ =	sdelay $0x1  }
0x8a: {  	s1 =	srdreg.scid  }
0x8b: {  	s0 =	sand.u32 $0x1, s1  }
0x8c: {  	s17 =	sshll.u32 s0, $0xA;
	s2 =	sadd.s32 s3, s2  }
0x8d: {  	s2 =	sadd.s32 s2, s17  }
0x8e: {  	[smem:$0x3FB7] =	sst s2  }
0x8f: {  	_ = 	snop  }
0x90: {  	s18 =	sld [smem:$0x3FC8];
	(tm) =	ssettm $0x1  }
0x91: {  	s19 =	sld [smem:$0x3FFB];
	_ =	sdelay $0x3  }
0x92: {  	_ =	strace s19  }
0x93: {  	s2 =	sld [smem:$0x3FFC];
	_ =	sdelay $0x3  }
0x94: {  	_ =	strace s2  }
0x95: {  	s2 =	sld [smem:$0x3FFD];
	_ =	sdelay $0x3  }
0x96: {  	_ =	strace s2  }
0x97: {  	_ =	strace $0x8FFFFFFF  }
0x98: {  	s20 =	sld [smem:$0x3FDB];
	_ =	sdelay $0x1  }
0x99: {  	s4 =	simm.s32 $_scs_section_size  }
0x9a: {  	s5 =	simm.s32 $_size__tile_overlayer_lowered;
	s6 =	simm.s32 $_tile_overlayer_lowered  }
0x9b: {  	s7 =	simm.s32 $0x1BFF;
	s21 =	sshll.u32 s6, $0x1;
	s4 =	sadd.s32 s4, s20  }
0x9c: {  	s22 =	simm.s32 $0x0;
	s5 =	sshll.u32 s5, $0x1;
	s6 =	sadd.s32 s21, s4  }
0x9d: {  	[timem:s22], [sflag:s7] =	dma.local [hbm:s6], s5  }
0x9e: {  	_ =	swait.ge [sflag:s7], s5  }
0x9f: {  	s5 =	ssub.s32 $0x0, s5;
	[sflag:s7] =	ssyncset.done $0x0  }
0xa0: {  	[sflag:s7] =	ssyncadd.s32 s5;
	_ =	sdelay $0x1  }
0xa1: {  	s23 =	simm.s32 $0x1B8B  }
0xa2: {  	_ =	swait.ge [sflag:s23], $0x1  }
0xa3: {  	[sflag:s23] =	ssyncset.done $0x0  }
0xa4: {  	[sflag:s23] =	ssyncadd.s32 $0xFFFFFFFF  }
0xa5: {  	s5 =	sld [smem:$0x0]  }
0xa6: {  	s6 =	sand.u32 $0xFFFFFFFE, s1  }
0xa7: {  	p0 =	sne.s32 s1, s6  }
0xa8: {  	s6 =	sshll.u32 @p0 s6, $0xE  }
0xa9: {  	s6 =	sadd.s32 @p0 $0x11B8D, s6;
	s7 =	sshll.u32 @p0 s5, $0x11  }
0xaa: {  	s6 =	sor.u32 @p0 s7, s6  }
0xab: {  	[sflag:s6] =	ssyncadd.remote.s32 @p0 $0x1;
	_ =	sdelay $0x1  }
0xac: {  	s6 =	simm.s32 @p0 $0x1B8D  }
0xad: {  	_ =	swait.eq @p0 [sflag:s6], $0x1  }
0xae: {  	[sflag:s6] =	ssyncadd.s32 @p0 $0xFFFFFFFF  }
0xaf: {  	s7 =	sshll.u32 @!p0 s1, $0xE  }
0xb0: {  	s7 =	sor.u32 @!p0 $0x4000, s7;
	s6 =	simm.s32 @!p0 $0x1B8D  }
0xb1: {  	s5 =	sshll.u32 @!p0 s5, $0x11;
	s7 =	sadd.s32 @!p0 $0x11B8D, s7;
	_ =	swait.eq @!p0 [sflag:s6], $0x1  }
0xb2: {  	s5 =	sor.u32 @!p0 s5, s7;
	[sflag:s6] =	ssyncadd.s32 @!p0 $0xFFFFFFFF  }
0xb3: {  	s25 =	simm.s32 $0x1B8E;
	s24 =	sld [smem:$0x3FFE];
	[sflag:s5] =	ssyncadd.remote.s32 @!p0 $0x1  }
0xb4: {  	s26 =	simm.s32 $execute0_lowered;
	[smem:$0x3FD2] =	sst s25  }
0xb5: {  	s6 =	sshll.u32 s26, $0x1;
	_ =	strace $0x80000049;
	[dreg:$0x1] =	wrdreg $0xFFFFFFFF  }
0xb6: {  	s28 =	simm.s32 $_size_execute0_lowered;
	s4 =	sadd.s32 s4, s6;
	[dreg:$0x0] =	wrdreg $0x0  }
0xb7: {  	s6 =	sshll.u32 s28, $0x1;
	[dreg:$0x2] =	wrdreg s4  }
0xb8: {  	[dreg:$0x3] =	wrdreg s6  }
0xb9: {  	[dreg:$0x4] =	wrdreg $0xC0  }
0xba: {  	_ =	task [dreg:s22], $0x5FFFF  }
0xbb: {  	[dreg:$0x1] =	wrdreg $0xFFFFFFFF  }
0xbc: {  	[dreg:$0x0] =	wrdreg $0x60  }
0xbd: {  	[dreg:$0x2] =	wrdreg s18  }
0xbe: {  	[dreg:$0x3] =	wrdreg s24  }
0xbf: {  	[dreg:$0x4] =	wrdreg $0xA  }
0xc0: {  	_ =	task.clear_ibuf [dreg:s22], $0x5FFFF;
	_ =	strace $0x90000049  }
0xc1: {  	s29 =	simm.s32 $0xA;
	_ =	strace $0x8000004B  }
0xc2: {  	_ =	swait.ge [sflag:s29], $0x1  }
0xc3: {  	[sflag:s29] =	ssyncadd.s32 $0xFFFFFFFF  }
0xc4: {  	_ =	strace $0x9000004B  }
0xc5: {  	_ =	sfence  }
0xc6: {  	s30 =	sld [smem:$0x0];
	_ =	sdelay $0x2  }
0xc7: {  	s31 =	sshll.u32 s1, $0xD;
	s1 =	sshrl.u32 s1, $0x2  }
0xc8: {  	s4 =	sand.u32 $0x4000, s31;
	s1 =	sadd.s32 s1, s30  }
0xc9: {  	s0 =	sor.u32 s4, s0;
	s1 =	sshll.u32 s1, $0x11  }
0xca: {  	s0 =	sor.u32 s1, s0  }
0xcb: {  	s0 =	sadd.s32 $0x8F2B, s0  }
0xcc: {  	[sflag:s0] =	ssyncadd.remote.s32 $0x1  }
0xcd: {  	_ =	sfence.sel $0xFFFF  }
0xce: {  	[dreg:$0x0] =	wrdreg $0xFFFFFFFF;
	(pc) =	sbr.abs _section_cstart, $3  }
0xcf: {  	[dreg:$0x1] =	wrdreg $0xFFFFFFFF  }
0xd0: {  	_ =	task.clear_ibuf [dreg:s22], $0x2FFFF;
	_ =	strace $0x9FFFFFFF  }
0xd1: {  	(tm) =	ssettm $0x7FFFFFFF  }
tec
execute0_lowered:
.L_overlay_start_1:
0x0: {  	(tag) =	ssettag $0x1  }
0x1: {  	s1 =	srdreg.scid  }
0x2: {  	s0 =	stileid.u32;
	s6 =	sand.u32 $0x1, s1  }
0x3: {  	s2 =	rddreg [dreg:$0x0];
	s30 =	sshll.u32 s0, $0x8;
	s3 =	sshll.u32 s6, $0x7  }
0x4: {  	s8 =	rddreg [dreg:$0x1];
	s7 =	simm.s32 $0x1;
	s9 =	sor.u32 s3, s30  }
0x5: {  	s1 =	rddreg [dreg:$0x2];
	s3 =	simm.s32 $0x0;
	s4 =	sshrl.u32 s9, $0x3  }
0x6: {  	s10 =	ssub.s32 $0x2, s6;
	[smem:$0x7FF] =	sst s3;
	s4 =	sadd.s32 s4, s8  }
0x7: {  	_ =	strace $0x8000004A;
	s5 =	sadd.s32 $0x33200, s4;
	s4 =	simm.s32 $0x2  }
0x8: {  	[tilespmem:s3], [sflag:$0x2] =	stream.linear.gather [hbm4b:s5+s3], $0x80, $0x38;
	[tilespmem:$0x4080] =	vst v63  }
0x9: {  	s6 =	simm.s32 $0x80;
	s11 =	sshrl.u32 s10, $0x1;
	_ =	swait.ge [sflag:s4], $0x80  }
0xa: {  	s9 =	sshll.u32 s9, $0x4;
	s31 =	ssub.s32 s10, s11;
	[sflag:s4] =	ssyncset.done $0x0  }
0xb: {  	s8 =	sadd.s32 s9, s8;
	s9 =	smax.u32 s31, $0x1;
	[sflag:s4] =	ssyncadd.s32 $0xFFFFFF80  }
0xc: {  	[tilespmem:s6], [sflag:$0x1] =	stream.indirect.gather [hbm4b:s2+s6], $0x80, s3, s6, $0xb8;
	[tilespmem:$0x4080] =	vst v63  }
0xd: {  	p0 =	sne.s32 s9, $0x1;
	_ =	swait.ge [sflag:s7], $0x4000  }
.Ltmp0:
0xe: {  	[sflag:s7] =	ssyncset.done $0x0;
	(pc) =	sbr.rel @!p0 .LBB2_2-.Ltmp0, $4  }
0xf: {  	s8 =	sadd.s32 $0x33400, s8;
	[sflag:s7] =	ssyncadd.s32 $0xFFFFC000  }
0x10: {  	[hbm4b:s8+s3] =	stream.linear.scatter [tilespmem:s6], [sflag:$0x2], $0x4000, $0x38;
	[tilespmem:$0x4080] =	vst v63  }
0x11: {  	_ =	swait.ge [sflag:s4], $0x4000  }
0x12: {  	s9 =	sadd.s32 $0xFFFFFFFF, s9;
	[sflag:s4] =	ssyncset.done $0x0  }
.LBB2_1:
0x13: {  	p0 =	sne.s32 s9, $0x1;
	s9 =	sadd.s32 $0xFFFFFFFF, s9;
	[sflag:s4] =	ssyncadd.s32 $0xFFFFC000  }
0x14: {  	[tilespmem:s3], [sflag:$0x2] =	stream.linear.gather [hbm4b:s5+s3], $0x80, $0x38;
	[tilespmem:$0x4080] =	vst v63  }
0x15: {  	_ =	swait.ge [sflag:s4], $0x80  }
0x16: {  	[sflag:s4] =	ssyncset.done $0x0  }
0x17: {  	[sflag:s4] =	ssyncadd.s32 $0xFFFFFF80  }
0x18: {  	[tilespmem:s6], [sflag:$0x1] =	stream.indirect.gather [hbm4b:s2+s6], $0x80, s3, s6, $0xb8;
	[tilespmem:$0x4080] =	vst v63  }
0x19: {  	_ =	swait.ge [sflag:s7], $0x4000  }
.Ltmp1:
0x1a: {  	[sflag:s7] =	ssyncset.done $0x0;
	(pc) =	sbr.rel @p0 .LBB2_1-.Ltmp1, $4  }
0x1b: {  	[sflag:s7] =	ssyncadd.s32 $0xFFFFC000  }
0x1c: {  	[hbm4b:s8+s3] =	stream.linear.scatter [tilespmem:s6], [sflag:$0x2], $0x4000, $0x38;
	[tilespmem:$0x4080] =	vst v63  }
0x1d: {  	_ =	swait.ge [sflag:s4], $0x4000  }
0x1e: {  	[sflag:s4] =	ssyncset.done $0x0  }
.LBB2_2:
0x1f: {  	[sflag:s4] =	ssyncadd.s32 $0xFFFFC000  }
0x20: {  	_ =	sfence.sel $0x180000  }
0x21: {  	[bflag:$0x0] =	sbarrier.arrive $0xFFFF  }
0x22: {  	p0 =	sne.s32 s0, $0x0;
	_ =	strace $0x9000004A  }
0x23: {  	s0 =	sadd.s32 @!p0 $0x100000, s1;
	[bflag:$0x2] =	sbarrier.arrive $0xFFFF  }
0x24: {  	[sflag:s0] =	ssyncadd.tile.s32 @!p0 $0x1;
	_ =	shalt  }
.Lfunc_end2:
_tile_overlayer_lowered:
.L_overlay_start_2:
0x25: {  	(tag) =	ssettag $0x2  }
0x26: {  	s0 =	rddreg [dreg:$0x0];
	s2 =	stileid.u32  }
0x27: {  	s1 =	rddreg [dreg:$0x1];
	p0 =	sne.s32 s2, $0x0  }
0x28: {  	s3 =	rddreg [dreg:$0x2];
	[bflag:$0x3] =	sbarrier.arrive $0xFFFF;
	s2 =	simm.s32 @!p0 $0x1C02  }
0x29: {  	[timem:s3], [sflag:s2] =	dma.local @!p0 [hbm:s0], s1  }
0x2a: {  	s0 =	simm.s32 @!p0 $0x2  }
0x2b: {  	_ =	swait.ge @!p0 [sflag:s0], s1  }
0x2c: {  	s1 =	ssub.s32 @!p0 $0x0, s1;
	[sflag:s0] =	ssyncset.done @!p0 $0x0  }
0x2d: {  	[sflag:s0] =	ssyncadd.s32 @!p0 s1  }
0x2e: {  	[bflag:$0x3] =	sbarrier.arrive $0xFFFF  }
0x2f: {  	_ =	shalt  }

</sc_bundles>
